<compile_context>
chip_gen: v7x
topology: tpu7x:2x2x1
jax: 0.10.2.dev20260603
libtpu: 0.0.44.dev20260713+nightly
codegen_flags: <defaults>
</compile_context>

<pallas_src>
import functools

import jax
import jax.numpy as jnp
from jax import lax
from jax.experimental import pallas as pl
from jax.experimental.pallas import tpu as pltpu
from jax.experimental.pallas import tpu_sc as plsc

BETA = 0.9
THETA = 1.0
ALPHA = 4.0

TCHUNK = 512


def _gif_scan(i_ref, o_ref, v_ref, nb, deinterleave=False):

    sub = 8 // nb

    ha = 0.5 * ALPHA
    gc1 = 0.5 * BETA
    gc2 = 0.5 * ha * BETA * THETA

    def substep(w_t, tg):
        t_p, g_p = tg
        rp = g_p + w_t
        x = rp - g_p * t_p
        t_n = jnp.tanh(x)
        s = 0.5 * t_n + 0.5
        g_n = gc1 * x + gc2
        return s, (t_n, g_n)

    def unpack(vref):
        return vref[0:nb, :], vref[nb:2 * nb, :]

    def pack(v_ref_, tg):
        v_ref_[0:nb, :] = tg[0]
        v_ref_[nb:2 * nb, :] = tg[1]

    if not deinterleave:
        def tile_step(k, tg):
            for half in range(2):
                tile = i_ref[pl.ds(16 * k + 8 * half, 8), :]
                wt = ha * tile - (ha * THETA)
                outs = []
                for j in range(sub):
                    s, tg = substep(wt[j * nb:(j + 1) * nb, :], tg)
                    outs.append(s)
                o_ref[pl.ds(16 * k + 8 * half, 8), :] = jnp.concatenate(
                    outs, axis=0)
            return tg

        pack(v_ref, jax.lax.fori_loop(0, TCHUNK * nb // 16, tile_step,
                                      unpack(v_ref)))
        return

    def tile_step16(k, tg):
        tiles = [i_ref[pl.ds(16 * k, 8), :], i_ref[pl.ds(16 * k + 8, 8), :]]
        wts = [ha * tl - (ha * THETA) for tl in tiles]
        outs = []
        for j in range(2 * sub):
            half, jj = divmod(j, sub)
            s, tg = substep(wts[half][jj * nb:(jj + 1) * nb, :], tg)
            outs.append(s)
        for b in range(nb):
            blk = jnp.concatenate([o[b:b + 1, :] for o in outs], axis=0)
            o_ref[pl.ds(b * TCHUNK + 8 * k, 8), :] = blk
        return tg

    pack(v_ref, jax.lax.fori_loop(0, TCHUNK * nb // 16, tile_step16,
                                  unpack(v_ref)))


def _sc_gather(table, idx):
    n = idx.shape[0]
    d = table.shape[1]
    info = plsc.get_sparse_core_info()
    nc = info.num_cores
    nw = nc * info.num_subcores
    b_per_w = n // nw
    mesh = plsc.VectorSubcoreMesh(core_axis_name="c", subcore_axis_name="s")

    @functools.partial(
        pl.kernel, mesh=mesh,
        out_type=jax.ShapeDtypeStruct((n, d), jnp.float32),
        scratch_types=[
            pltpu.VMEM((b_per_w,), jnp.int32),
            pltpu.VMEM((b_per_w, d), jnp.float32),
            pltpu.SemaphoreType.DMA,
        ],
    )
    def gather_k(table_hbm, idx_hbm, out_hbm, idx_v, rows_v, sem):
        wid = lax.axis_index("s") * nc + lax.axis_index("c")
        base = wid * b_per_w
        pltpu.sync_copy(idx_hbm.at[pl.ds(base, b_per_w)], idx_v)
        pltpu.async_copy(table_hbm.at[idx_v], rows_v, sem).wait()
        pltpu.sync_copy(rows_v, out_hbm.at[pl.ds(base, b_per_w)])

    return gather_k(table, idx)


def _zone_kernel(emb_ref, we_ref, be_ref,
                 wd_ref, bd_ref, wo_ref, bo_ref,
                 out_ref, ibuf, sbuf, v1_ref, v2_ref, *, nb):
    @pl.when(pl.program_id(0) == 0)
    def _init():
        v1_ref[...] = jnp.zeros_like(v1_ref)
        v2_ref[...] = jnp.zeros_like(v2_ref)

    ibuf[...] = jnp.dot(emb_ref[...], we_ref[...],
                        preferred_element_type=jnp.float32) + be_ref[...]
    _gif_scan(ibuf, sbuf, v1_ref, nb)

    ibuf[...] = jnp.dot(sbuf[...], wd_ref[...],
                        preferred_element_type=jnp.float32) + bd_ref[...]
    _gif_scan(ibuf, sbuf, v2_ref, nb, deinterleave=True)

    logits = jnp.dot(sbuf[...], wo_ref[...],
                     preferred_element_type=jnp.float32) + bo_ref[...]
    out_ref[...] = logits.reshape(out_ref.shape)


def kernel(input_ids, table, W_enc, b_enc, W_dec, b_dec, W_out, b_out):
    nb, t = input_ids.shape
    vocab, embed = table.shape
    hidden = W_enc.shape[1]
    rows = TCHUNK * nb
    grid = t // TCHUNK

    ids_flat = input_ids.astype(jnp.int32).T.reshape(t * nb)
    embeds = _sc_gather(table, ids_flat)

    out = pl.pallas_call(
        functools.partial(_zone_kernel, nb=nb),
        grid=(grid,),
        in_specs=[
            pl.BlockSpec((rows, embed), lambda i: (i, 0)),
            pl.BlockSpec((embed, hidden), lambda i: (0, 0)),
            pl.BlockSpec((1, hidden), lambda i: (0, 0)),
            pl.BlockSpec((hidden, embed), lambda i: (0, 0)),
            pl.BlockSpec((1, embed), lambda i: (0, 0)),
            pl.BlockSpec((embed, vocab), lambda i: (0, 0)),
            pl.BlockSpec((1, vocab), lambda i: (0, 0)),
        ],
        out_specs=pl.BlockSpec((nb, TCHUNK, vocab), lambda i: (0, i, 0)),
        out_shape=jax.ShapeDtypeStruct((nb, t, vocab), jnp.float32),
        scratch_shapes=[
            pltpu.VMEM((rows, hidden), jnp.float32),
            pltpu.VMEM((rows, hidden), jnp.float32),
            pltpu.VMEM((2 * nb, hidden), jnp.float32),
            pltpu.VMEM((2 * nb, embed), jnp.float32),
        ],
    )(embeds, W_enc, b_enc[None, :], W_dec, b_dec[None, :],
      W_out, b_out[None, :])

    return out

# --- scband reference (transcript-rebuilt; emitter-appended) ---
"""Pipeline reference for scband-mo-elanguage-zone-29480655520333 (READ-ONLY COPY).

The authoritative reference and input builder live on the scoring server;
editing this copy changes nothing except your own understanding.
"""

import jax, jax.numpy as jnp
import numpy as np

VOCAB = 1000
EMBED = 768
HIDDEN = 768
B = 2
T = 2048


def setup_inputs(seed: int = 0) -> dict:
    key = jax.random.key(seed)
    ks = jax.random.split(key, 8)
    input_ids = jax.random.randint(ks[0], (B, T), 0, VOCAB, dtype=jnp.int64 if jax.config.jax_enable_x64 else jnp.int32)
    table = jax.random.normal(ks[1], (VOCAB, EMBED), dtype=jnp.float32) * 0.02
    W_enc = jax.random.normal(ks[2], (EMBED, HIDDEN), dtype=jnp.float32) * (1.0 / np.sqrt(EMBED))
    b_enc = jnp.zeros((HIDDEN,), dtype=jnp.float32)
    W_dec = jax.random.normal(ks[3], (HIDDEN, EMBED), dtype=jnp.float32) * (1.0 / np.sqrt(HIDDEN))
    b_dec = jnp.zeros((EMBED,), dtype=jnp.float32)
    W_out = jax.random.normal(ks[4], (EMBED, VOCAB), dtype=jnp.float32) * (1.0 / np.sqrt(EMBED))
    b_out = jnp.zeros((VOCAB,), dtype=jnp.float32)
    return {
        "input_ids": input_ids,
        "table": table,
        "W_enc": W_enc,
        "b_enc": b_enc,
        "W_dec": W_dec,
        "b_dec": b_dec,
        "W_out": W_out,
        "b_out": b_out,
    }


def _gif_neuron(x, W, b, beta=0.9, theta=1.0, alpha=4.0):
    # Gated integrate-and-fire neuron layer applied over a sequence.
    # x: [B, T, D_in] -> spikes: [B, T, D_out]
    I = jnp.einsum("btd,dh->bth", x, W) + b
    v0 = jnp.zeros((x.shape[0], W.shape[1]), dtype=x.dtype)

    def step(v, i_t):
        v_new = beta * v + i_t
        s = jax.nn.sigmoid(alpha * (v_new - theta))  # smooth surrogate spike
        v_next = v_new * (1.0 - s)  # soft reset after firing
        return v_next, s

    _, spikes = jax.lax.scan(step, v0, jnp.swapaxes(I, 0, 1))
    return jnp.swapaxes(spikes, 0, 1)


def reference(input_ids, table, W_enc, b_enc, W_dec, b_dec, W_out, b_out):
    # Faithful translation of MoELanguageZone.forward_sync:
    #   embeds = embeddings(input_ids)
    #   spikes_enc, _ = encoder(embeds)
    #   decoded, _ = decoder(spikes_enc)
    #   logits = output_proj(decoded)
    embeds = jnp.take(table, input_ids, axis=0)  # [B, T, EMBED]
    spikes_enc = _gif_neuron(embeds, W_enc, b_enc)  # [B, T, HIDDEN]
    decoded = _gif_neuron(spikes_enc, W_dec, b_dec)  # [B, T, EMBED]
    logits = decoded @ W_out + b_out  # [B, T, VOCAB]
    return logits

if __name__ == "__main__":
    import jax
    _d = setup_inputs()
    print(jax.jit(kernel)(*tuple(_d.values())))

</pallas_src>

<mosaic_0001>
#map = affine_map<(d0, d1) -> (0, 0)>
#map1 = affine_map<(d0, d1) -> (0)>
module attributes {stable_mosaic.version = 14 : i64} {
  func.func @gather_k(%arg0: i32, %arg1: i32, %arg2: memref<1000x768xf32, #tpu.memory_space<hbm>>, %arg3: memref<4096xi32, #tpu.memory_space<hbm>>, %arg4: memref<4096x768xf32, #tpu.memory_space<hbm>>, %arg5: memref<128xi32, #tpu.memory_space<vmem>>, %arg6: memref<128x768xf32, #tpu.memory_space<vmem>>, %arg7: memref<!tpu.dma_semaphore, #tpu.memory_space<semaphore_mem>>) attributes {dimension_semantics = [#tpu.dimension_semantics<core_parallel>, #tpu.dimension_semantics<subcore_parallel>], iteration_bounds = array<i64: 2, 16>, scalar_prefetch = 0 : i64, scratch_operands = 3 : i64, tpu.core_type = #tpu.core_type<sc_vector_subcore>, window_params = [{transform_indices = #map}, {transform_indices = #map1}, {transform_indices = #map}]} {
    %mul3A = arith.constant 2 : i32
    %mul3A_0 = arith.muli %arg1, %mul3A : i32
    %add3A = arith.addi %mul3A_0, %arg0 : i32
    %mul3A_1 = arith.constant 128 : i32
    %mul3A_2 = arith.muli %add3A, %mul3A_1 : i32
    "tpu.region"() ({
      %run_scoped3A = tpu.sem_alloc : memref<!tpu.dma_semaphore, #tpu.memory_space<semaphore_mem>>
      %dma_start3A_7 = tpu.memref_slice %arg3[%mul3A_2] : memref<4096xi32, #tpu.memory_space<hbm>> -> memref<128xi32, #tpu.memory_space<hbm>>
      %dma_start3A_8 = tpu.memref_slice %arg3[%mul3A_2] : memref<4096xi32, #tpu.memory_space<hbm>> -> memref<128xi32, #tpu.memory_space<hbm>>
      tpu.enqueue_dma source(%dma_start3A_8 : memref<128xi32, #tpu.memory_space<hbm>>) target(%arg5 : memref<128xi32, #tpu.memory_space<vmem>>) target_semaphore(%run_scoped3A : memref<!tpu.dma_semaphore, #tpu.memory_space<semaphore_mem>>)
      %dma_wait3A_9 = tpu.memref_slice %arg3[%mul3A_2] : memref<4096xi32, #tpu.memory_space<hbm>> -> memref<128xi32, #tpu.memory_space<hbm>>
      %dma_wait3A_10 = tpu.memref_slice %arg3[%mul3A_2] : memref<4096xi32, #tpu.memory_space<hbm>> -> memref<128xi32, #tpu.memory_space<hbm>>
      tpu.wait_dma2 semaphore(%run_scoped3A : memref<!tpu.dma_semaphore, #tpu.memory_space<semaphore_mem>>) src(%dma_wait3A_10 : memref<128xi32, #tpu.memory_space<hbm>>) dst(%arg5 : memref<128xi32, #tpu.memory_space<vmem>>)
      tpu.yield
    }) : () -> ()
    %dma_start3A = arith.constant 0 : i32
    %dma_start3A_3 = arith.constant 0 : i32
    %dma_start3A_4 = tpu.memref_slice %arg2[%dma_start3A, %dma_start3A_3] : memref<1000x768xf32, #tpu.memory_space<hbm>> -> memref<1000x768xf32, #tpu.memory_space<hbm>>
    tpu.enqueue_indirect_dma source(%dma_start3A_4 : memref<1000x768xf32, #tpu.memory_space<hbm>>) target(%arg6 : memref<128x768xf32, #tpu.memory_space<vmem>>) offsets(%arg5 : memref<128xi32, #tpu.memory_space<vmem>>) semaphore(%arg7 : memref<!tpu.dma_semaphore, #tpu.memory_space<semaphore_mem>>)
    %dma_wait3A = arith.constant 0 : i32
    %dma_wait3A_5 = arith.constant 0 : i32
    %dma_wait3A_6 = tpu.memref_slice %arg2[%dma_wait3A, %dma_wait3A_5] : memref<1000x768xf32, #tpu.memory_space<hbm>> -> memref<1000x768xf32, #tpu.memory_space<hbm>>
    tpu.wait_indirect_dma semaphore(%arg7 : memref<!tpu.dma_semaphore, #tpu.memory_space<semaphore_mem>>) src(%dma_wait3A_6 : memref<1000x768xf32, #tpu.memory_space<hbm>>) dst(%arg6 : memref<128x768xf32, #tpu.memory_space<vmem>>)
    "tpu.region"() ({
      %run_scoped3A = tpu.sem_alloc : memref<!tpu.dma_semaphore, #tpu.memory_space<semaphore_mem>>
      %dma_start3A_7 = arith.constant 0 : i32
      %dma_start3A_8 = tpu.memref_slice %arg4[%mul3A_2, %dma_start3A_7] : memref<4096x768xf32, #tpu.memory_space<hbm>> -> memref<128x768xf32, #tpu.memory_space<hbm>>
      %dma_start3A_9 = arith.constant 0 : i32
      %dma_start3A_10 = tpu.memref_slice %arg4[%mul3A_2, %dma_start3A_9] : memref<4096x768xf32, #tpu.memory_space<hbm>> -> memref<128x768xf32, #tpu.memory_space<hbm>>
      tpu.enqueue_dma source(%arg6 : memref<128x768xf32, #tpu.memory_space<vmem>>) target(%dma_start3A_10 : memref<128x768xf32, #tpu.memory_space<hbm>>) target_semaphore(%run_scoped3A : memref<!tpu.dma_semaphore, #tpu.memory_space<semaphore_mem>>)
      %dma_wait3A_11 = arith.constant 0 : i32
      %dma_wait3A_12 = tpu.memref_slice %arg4[%mul3A_2, %dma_wait3A_11] : memref<4096x768xf32, #tpu.memory_space<hbm>> -> memref<128x768xf32, #tpu.memory_space<hbm>>
      %dma_wait3A_13 = arith.constant 0 : i32
      %dma_wait3A_14 = tpu.memref_slice %arg4[%mul3A_2, %dma_wait3A_13] : memref<4096x768xf32, #tpu.memory_space<hbm>> -> memref<128x768xf32, #tpu.memory_space<hbm>>
      tpu.wait_dma2 semaphore(%run_scoped3A : memref<!tpu.dma_semaphore, #tpu.memory_space<semaphore_mem>>) src(%arg6 : memref<128x768xf32, #tpu.memory_space<vmem>>) dst(%dma_wait3A_14 : memref<128x768xf32, #tpu.memory_space<hbm>>)
      tpu.yield
    }) : () -> ()
    return
  }
}

module attributes {stable_mosaic.version = 14 : i64} {
  func.func @_zone_kernel(%arg0: i32, %arg1: memref<1024x768xf32, #tpu.memory_space<vmem>>, %arg2: memref<768x768xf32, #tpu.memory_space<vmem>>, %arg3: memref<1x768xf32, #tpu.memory_space<vmem>>, %arg4: memref<768x768xf32, #tpu.memory_space<vmem>>, %arg5: memref<1x768xf32, #tpu.memory_space<vmem>>, %arg6: memref<768x1000xf32, #tpu.memory_space<vmem>>, %arg7: memref<1x1000xf32, #tpu.memory_space<vmem>>, %arg8: memref<2x512x1000xf32, #tpu.memory_space<vmem>>, %arg9: memref<1024x768xf32, #tpu.memory_space<vmem>>, %arg10: memref<1024x768xf32, #tpu.memory_space<vmem>>, %arg11: memref<4x768xf32, #tpu.memory_space<vmem>>, %arg12: memref<4x768xf32, #tpu.memory_space<vmem>>) attributes {dimension_semantics = [#tpu.dimension_semantics<arbitrary>], iteration_bounds = array<i64: 4>, scalar_prefetch = 0 : i64, scratch_operands = 4 : i64, tpu.core_type = #tpu.core_type<tc>, window_params = [{transform_indices = @transform_0, window_bounds = array<i64: 1024, 768>}, {pipeline_mode = #tpu.pipeline_mode<synchronous>, transform_indices = @transform_1, window_bounds = array<i64: 768, 768>}, {pipeline_mode = #tpu.pipeline_mode<synchronous>, transform_indices = @transform_2, window_bounds = array<i64: 1, 768>}, {pipeline_mode = #tpu.pipeline_mode<synchronous>, transform_indices = @transform_3, window_bounds = array<i64: 768, 768>}, {pipeline_mode = #tpu.pipeline_mode<synchronous>, transform_indices = @transform_4, window_bounds = array<i64: 1, 768>}, {pipeline_mode = #tpu.pipeline_mode<synchronous>, transform_indices = @transform_5, window_bounds = array<i64: 768, 1000>}, {pipeline_mode = #tpu.pipeline_mode<synchronous>, transform_indices = @transform_6, window_bounds = array<i64: 1, 1000>}, {transform_indices = @transform_7, window_bounds = array<i64: 2, 512, 1000>}]} {
    %eq3A = arith.constant 0 : i32
    %eq3A_0 = arith.cmpi eq, %arg0, %eq3A : i32
    %convert_element_type3A = arith.extui %eq3A_0 : i1 to i32
    %cond3A = arith.constant 0 : i32
    %cond3A_1 = arith.cmpi ne, %convert_element_type3A, %cond3A : i32
    scf.if %cond3A_1 {
      %broadcast_in_dim3A = arith.constant 0.000000e+00 : f32
      %broadcast_in_dim3A_82 = vector.broadcast %broadcast_in_dim3A : f32 to vector<4x768xf32>
      %swap3A_83 = arith.constant 0 : index
      %swap3A_84 = arith.constant 0 : index
      %swap3A_85 = vector.load %arg11[%swap3A_83, %swap3A_84] : memref<4x768xf32, #tpu.memory_space<vmem>>, vector<4x768xf32>
      tpu.vector_store %arg11[%swap3A_83, %swap3A_84], %broadcast_in_dim3A_82 {strides = array<i32>} : memref<4x768xf32, #tpu.memory_space<vmem>>, vector<4x768xf32>,
      %broadcast_in_dim3A_86 = arith.constant 0.000000e+00 : f32
      %broadcast_in_dim3A_87 = vector.broadcast %broadcast_in_dim3A_86 : f32 to vector<4x768xf32>
      %swap3A_88 = arith.constant 0 : index
      %swap3A_89 = arith.constant 0 : index
      %swap3A_90 = vector.load %arg12[%swap3A_88, %swap3A_89] : memref<4x768xf32, #tpu.memory_space<vmem>>, vector<4x768xf32>
      tpu.vector_store %arg12[%swap3A_88, %swap3A_89], %broadcast_in_dim3A_87 {strides = array<i32>} : memref<4x768xf32, #tpu.memory_space<vmem>>, vector<4x768xf32>,
    } else {
    }
    %get3A = arith.constant 0 : index
    %get3A_2 = arith.constant 0 : index
    %get3A_3 = vector.load %arg1[%get3A, %get3A_2] : memref<1024x768xf32, #tpu.memory_space<vmem>>, vector<1024x768xf32>
    %get3A_4 = arith.constant 0 : index
    %get3A_5 = arith.constant 0 : index
    %get3A_6 = vector.load %arg2[%get3A_4, %get3A_5] : memref<768x768xf32, #tpu.memory_space<vmem>>, vector<768x768xf32>
    %dot_general3A = arith.constant dense<0.000000e+00> : vector<1024x768xf32>
    %dot_general3A_7 = tpu.matmul %get3A_3, %get3A_6, %dot_general3A {dimension_numbers = #tpu.dot_dimension_numbers<[1], [0], [0], [1], [0, 0, 1, 1], [], []>, transpose_lhs_hint = false} : vector<1024x768xf32>, vector<768x768xf32>, vector<1024x768xf32> -> vector<1024x768xf32>
    %get3A_8 = arith.constant 0 : index
    %get3A_9 = arith.constant 0 : index
    %get3A_10 = vector.load %arg3[%get3A_8, %get3A_9] : memref<1x768xf32, #tpu.memory_space<vmem>>, vector<1x768xf32>
    %add3A = vector.broadcast %get3A_10 : vector<1x768xf32> to vector<1024x768xf32>
    %add3A_11 = arith.addf %dot_general3A_7, %add3A : vector<1024x768xf32>
    %swap3A = arith.constant 0 : index
    %swap3A_12 = arith.constant 0 : index
    %swap3A_13 = vector.load %arg9[%swap3A, %swap3A_12] : memref<1024x768xf32, #tpu.memory_space<vmem>>, vector<1024x768xf32>
    tpu.vector_store %arg9[%swap3A, %swap3A_12], %add3A_11 {strides = array<i32>} : memref<1024x768xf32, #tpu.memory_space<vmem>>, vector<1024x768xf32>,
    %get3A_14 = arith.constant 0 : index
    %get3A_15 = arith.constant 0 : index
    %get3A_16 = vector.load %arg11[%get3A_14, %get3A_15] : memref<4x768xf32, #tpu.memory_space<vmem>>, vector<2x768xf32>
    %get3A_17 = arith.constant 2 : index
    %get3A_18 = arith.constant 0 : index
    %get3A_19 = vector.load %arg11[%get3A_17, %get3A_18] : memref<4x768xf32, #tpu.memory_space<vmem>>, vector<2x768xf32>
    %scan3A = arith.constant 0 : i32
    %scan3A_20 = arith.constant 64 : i32
    %scan3A_21 = arith.addi %scan3A, %scan3A_20 : i32
    %scan3A_22 = arith.constant 1 : i32
    %scan3A_23:2 = scf.for %scan3A_82 = %scan3A to %scan3A_21 step %scan3A_22 iter_args(%scan3A_83 = %get3A_16, %scan3A_84 = %get3A_19) -> (vector<2x768xf32>, vector<2x768xf32>)  : i32 {
      %mul3A = arith.constant 16 : i32
      %mul3A_85 = arith.muli %mul3A, %scan3A_82 : i32
      %add3A_86 = arith.constant 0 : i32
      %add3A_87 = arith.addi %mul3A_85, %add3A_86 : i32
      %get3A_88 = arith.index_cast %add3A_87 : i32 to index
      %get3A_89 = arith.constant 0 : index
      %get3A_90 = vector.load %arg9[%get3A_88, %get3A_89] : memref<1024x768xf32, #tpu.memory_space<vmem>>, vector<8x768xf32>
      %mul3A_91 = arith.constant 2.000000e+00 : f32
      %mul3A_92 = vector.broadcast %mul3A_91 : f32 to vector<8x768xf32>
      %mul3A_93 = arith.mulf %mul3A_92, %get3A_90 : vector<8x768xf32>
      %sub3A = arith.constant 2.000000e+00 : f32
      %sub3A_94 = vector.broadcast %sub3A : f32 to vector<8x768xf32>
      %sub3A_95 = arith.subf %mul3A_93, %sub3A_94 : vector<8x768xf32>
      %slice3A = vector.extract_strided_slice %sub3A_95 {offsets = [0, 0], sizes = [2, 768], strides = [1, 1]} : vector<8x768xf32> to vector<2x768xf32>
      %add3A_96 = arith.addf %scan3A_84, %slice3A : vector<2x768xf32>
      %mul3A_97 = arith.mulf %scan3A_84, %scan3A_83 : vector<2x768xf32>
      %sub3A_98 = arith.subf %add3A_96, %mul3A_97 : vector<2x768xf32>
      %tanh3A = math.tanh %sub3A_98 : vector<2x768xf32>
      %mul3A_99 = arith.constant 5.000000e-01 : f32
      %mul3A_100 = vector.broadcast %mul3A_99 : f32 to vector<2x768xf32>
      %mul3A_101 = arith.mulf %mul3A_100, %tanh3A : vector<2x768xf32>
      %add3A_102 = arith.constant 5.000000e-01 : f32
      %add3A_103 = vector.broadcast %add3A_102 : f32 to vector<2x768xf32>
      %add3A_104 = arith.addf %mul3A_101, %add3A_103 : vector<2x768xf32>
      %mul3A_105 = arith.constant 4.500000e-01 : f32
      %mul3A_106 = vector.broadcast %mul3A_105 : f32 to vector<2x768xf32>
      %mul3A_107 = arith.mulf %mul3A_106, %sub3A_98 : vector<2x768xf32>
      %add3A_108 = arith.constant 0.899999976 : f32
      %add3A_109 = vector.broadcast %add3A_108 : f32 to vector<2x768xf32>
      %add3A_110 = arith.addf %mul3A_107, %add3A_109 : vector<2x768xf32>
      %slice3A_111 = vector.extract_strided_slice %sub3A_95 {offsets = [2, 0], sizes = [2, 768], strides = [1, 1]} : vector<8x768xf32> to vector<2x768xf32>
      %add3A_112 = arith.addf %add3A_110, %slice3A_111 : vector<2x768xf32>
      %mul3A_113 = arith.mulf %add3A_110, %tanh3A : vector<2x768xf32>
      %sub3A_114 = arith.subf %add3A_112, %mul3A_113 : vector<2x768xf32>
      %tanh3A_115 = math.tanh %sub3A_114 : vector<2x768xf32>
      %mul3A_116 = arith.constant 5.000000e-01 : f32
      %mul3A_117 = vector.broadcast %mul3A_116 : f32 to vector<2x768xf32>
      %mul3A_118 = arith.mulf %mul3A_117, %tanh3A_115 : vector<2x768xf32>
      %add3A_119 = arith.constant 5.000000e-01 : f32
      %add3A_120 = vector.broadcast %add3A_119 : f32 to vector<2x768xf32>
      %add3A_121 = arith.addf %mul3A_118, %add3A_120 : vector<2x768xf32>
      %mul3A_122 = arith.constant 4.500000e-01 : f32
      %mul3A_123 = vector.broadcast %mul3A_122 : f32 to vector<2x768xf32>
      %mul3A_124 = arith.mulf %mul3A_123, %sub3A_114 : vector<2x768xf32>
      %add3A_125 = arith.constant 0.899999976 : f32
      %add3A_126 = vector.broadcast %add3A_125 : f32 to vector<2x768xf32>
      %add3A_127 = arith.addf %mul3A_124, %add3A_126 : vector<2x768xf32>
      %slice3A_128 = vector.extract_strided_slice %sub3A_95 {offsets = [4, 0], sizes = [2, 768], strides = [1, 1]} : vector<8x768xf32> to vector<2x768xf32>
      %add3A_129 = arith.addf %add3A_127, %slice3A_128 : vector<2x768xf32>
      %mul3A_130 = arith.mulf %add3A_127, %tanh3A_115 : vector<2x768xf32>
      %sub3A_131 = arith.subf %add3A_129, %mul3A_130 : vector<2x768xf32>
      %tanh3A_132 = math.tanh %sub3A_131 : vector<2x768xf32>
      %mul3A_133 = arith.constant 5.000000e-01 : f32
      %mul3A_134 = vector.broadcast %mul3A_133 : f32 to vector<2x768xf32>
      %mul3A_135 = arith.mulf %mul3A_134, %tanh3A_132 : vector<2x768xf32>
      %add3A_136 = arith.constant 5.000000e-01 : f32
      %add3A_137 = vector.broadcast %add3A_136 : f32 to vector<2x768xf32>
      %add3A_138 = arith.addf %mul3A_135, %add3A_137 : vector<2x768xf32>
      %mul3A_139 = arith.constant 4.500000e-01 : f32
      %mul3A_140 = vector.broadcast %mul3A_139 : f32 to vector<2x768xf32>
      %mul3A_141 = arith.mulf %mul3A_140, %sub3A_131 : vector<2x768xf32>
      %add3A_142 = arith.constant 0.899999976 : f32
      %add3A_143 = vector.broadcast %add3A_142 : f32 to vector<2x768xf32>
      %add3A_144 = arith.addf %mul3A_141, %add3A_143 : vector<2x768xf32>
      %slice3A_145 = vector.extract_strided_slice %sub3A_95 {offsets = [6, 0], sizes = [2, 768], strides = [1, 1]} : vector<8x768xf32> to vector<2x768xf32>
      %add3A_146 = arith.addf %add3A_144, %slice3A_145 : vector<2x768xf32>
      %mul3A_147 = arith.mulf %add3A_144, %tanh3A_132 : vector<2x768xf32>
      %sub3A_148 = arith.subf %add3A_146, %mul3A_147 : vector<2x768xf32>
      %tanh3A_149 = math.tanh %sub3A_148 : vector<2x768xf32>
      %mul3A_150 = arith.constant 5.000000e-01 : f32
      %mul3A_151 = vector.broadcast %mul3A_150 : f32 to vector<2x768xf32>
      %mul3A_152 = arith.mulf %mul3A_151, %tanh3A_149 : vector<2x768xf32>
      %add3A_153 = arith.constant 5.000000e-01 : f32
      %add3A_154 = vector.broadcast %add3A_153 : f32 to vector<2x768xf32>
      %add3A_155 = arith.addf %mul3A_152, %add3A_154 : vector<2x768xf32>
      %mul3A_156 = arith.constant 4.500000e-01 : f32
      %mul3A_157 = vector.broadcast %mul3A_156 : f32 to vector<2x768xf32>
      %mul3A_158 = arith.mulf %mul3A_157, %sub3A_148 : vector<2x768xf32>
      %add3A_159 = arith.constant 0.899999976 : f32
      %add3A_160 = vector.broadcast %add3A_159 : f32 to vector<2x768xf32>
      %add3A_161 = arith.addf %mul3A_158, %add3A_160 : vector<2x768xf32>
      %concatenate3A = tpu.concatenate %add3A_104, %add3A_121, %add3A_138, %add3A_155 in 0 : vector<2x768xf32>, vector<2x768xf32>, vector<2x768xf32>, vector<2x768xf32> -> vector<8x768xf32>
      %mul3A_162 = arith.constant 16 : i32
      %mul3A_163 = arith.muli %mul3A_162, %scan3A_82 : i32
      %add3A_164 = arith.constant 0 : i32
      %add3A_165 = arith.addi %mul3A_163, %add3A_164 : i32
      %swap3A_166 = arith.index_cast %add3A_165 : i32 to index
      %swap3A_167 = arith.constant 0 : index
      %swap3A_168 = vector.load %arg10[%swap3A_166, %swap3A_167] : memref<1024x768xf32, #tpu.memory_space<vmem>>, vector<8x768xf32>
      tpu.vector_store %arg10[%swap3A_166, %swap3A_167], %concatenate3A {strides = array<i32>} : memref<1024x768xf32, #tpu.memory_space<vmem>>, vector<8x768xf32>,
      %mul3A_169 = arith.constant 16 : i32
      %mul3A_170 = arith.muli %mul3A_169, %scan3A_82 : i32
      %add3A_171 = arith.constant 8 : i32
      %add3A_172 = arith.addi %mul3A_170, %add3A_171 : i32
      %get3A_173 = arith.index_cast %add3A_172 : i32 to index
      %get3A_174 = arith.constant 0 : index
      %get3A_175 = vector.load %arg9[%get3A_173, %get3A_174] : memref<1024x768xf32, #tpu.memory_space<vmem>>, vector<8x768xf32>
      %mul3A_176 = arith.constant 2.000000e+00 : f32
      %mul3A_177 = vector.broadcast %mul3A_176 : f32 to vector<8x768xf32>
      %mul3A_178 = arith.mulf %mul3A_177, %get3A_175 : vector<8x768xf32>
      %sub3A_179 = arith.constant 2.000000e+00 : f32
      %sub3A_180 = vector.broadcast %sub3A_179 : f32 to vector<8x768xf32>
      %sub3A_181 = arith.subf %mul3A_178, %sub3A_180 : vector<8x768xf32>
      %slice3A_182 = vector.extract_strided_slice %sub3A_181 {offsets = [0, 0], sizes = [2, 768], strides = [1, 1]} : vector<8x768xf32> to vector<2x768xf32>
      %add3A_183 = arith.addf %add3A_161, %slice3A_182 : vector<2x768xf32>
      %mul3A_184 = arith.mulf %add3A_161, %tanh3A_149 : vector<2x768xf32>
      %sub3A_185 = arith.subf %add3A_183, %mul3A_184 : vector<2x768xf32>
      %tanh3A_186 = math.tanh %sub3A_185 : vector<2x768xf32>
      %mul3A_187 = arith.constant 5.000000e-01 : f32
      %mul3A_188 = vector.broadcast %mul3A_187 : f32 to vector<2x768xf32>
      %mul3A_189 = arith.mulf %mul3A_188, %tanh3A_186 : vector<2x768xf32>
      %add3A_190 = arith.constant 5.000000e-01 : f32
      %add3A_191 = vector.broadcast %add3A_190 : f32 to vector<2x768xf32>
      %add3A_192 = arith.addf %mul3A_189, %add3A_191 : vector<2x768xf32>
      %mul3A_193 = arith.constant 4.500000e-01 : f32
      %mul3A_194 = vector.broadcast %mul3A_193 : f32 to vector<2x768xf32>
      %mul3A_195 = arith.mulf %mul3A_194, %sub3A_185 : vector<2x768xf32>
      %add3A_196 = arith.constant 0.899999976 : f32
      %add3A_197 = vector.broadcast %add3A_196 : f32 to vector<2x768xf32>
      %add3A_198 = arith.addf %mul3A_195, %add3A_197 : vector<2x768xf32>
      %slice3A_199 = vector.extract_strided_slice %sub3A_181 {offsets = [2, 0], sizes = [2, 768], strides = [1, 1]} : vector<8x768xf32> to vector<2x768xf32>
      %add3A_200 = arith.addf %add3A_198, %slice3A_199 : vector<2x768xf32>
      %mul3A_201 = arith.mulf %add3A_198, %tanh3A_186 : vector<2x768xf32>
      %sub3A_202 = arith.subf %add3A_200, %mul3A_201 : vector<2x768xf32>
      %tanh3A_203 = math.tanh %sub3A_202 : vector<2x768xf32>
      %mul3A_204 = arith.constant 5.000000e-01 : f32
      %mul3A_205 = vector.broadcast %mul3A_204 : f32 to vector<2x768xf32>
      %mul3A_206 = arith.mulf %mul3A_205, %tanh3A_203 : vector<2x768xf32>
      %add3A_207 = arith.constant 5.000000e-01 : f32
      %add3A_208 = vector.broadcast %add3A_207 : f32 to vector<2x768xf32>
      %add3A_209 = arith.addf %mul3A_206, %add3A_208 : vector<2x768xf32>
      %mul3A_210 = arith.constant 4.500000e-01 : f32
      %mul3A_211 = vector.broadcast %mul3A_210 : f32 to vector<2x768xf32>
      %mul3A_212 = arith.mulf %mul3A_211, %sub3A_202 : vector<2x768xf32>
      %add3A_213 = arith.constant 0.899999976 : f32
      %add3A_214 = vector.broadcast %add3A_213 : f32 to vector<2x768xf32>
      %add3A_215 = arith.addf %mul3A_212, %add3A_214 : vector<2x768xf32>
      %slice3A_216 = vector.extract_strided_slice %sub3A_181 {offsets = [4, 0], sizes = [2, 768], strides = [1, 1]} : vector<8x768xf32> to vector<2x768xf32>
      %add3A_217 = arith.addf %add3A_215, %slice3A_216 : vector<2x768xf32>
      %mul3A_218 = arith.mulf %add3A_215, %tanh3A_203 : vector<2x768xf32>
      %sub3A_219 = arith.subf %add3A_217, %mul3A_218 : vector<2x768xf32>
      %tanh3A_220 = math.tanh %sub3A_219 : vector<2x768xf32>
      %mul3A_221 = arith.constant 5.000000e-01 : f32
      %mul3A_222 = vector.broadcast %mul3A_221 : f32 to vector<2x768xf32>
      %mul3A_223 = arith.mulf %mul3A_222, %tanh3A_220 : vector<2x768xf32>
      %add3A_224 = arith.constant 5.000000e-01 : f32
      %add3A_225 = vector.broadcast %add3A_224 : f32 to vector<2x768xf32>
      %add3A_226 = arith.addf %mul3A_223, %add3A_225 : vector<2x768xf32>
      %mul3A_227 = arith.constant 4.500000e-01 : f32
      %mul3A_228 = vector.broadcast %mul3A_227 : f32 to vector<2x768xf32>
      %mul3A_229 = arith.mulf %mul3A_228, %sub3A_219 : vector<2x768xf32>
      %add3A_230 = arith.constant 0.899999976 : f32
      %add3A_231 = vector.broadcast %add3A_230 : f32 to vector<2x768xf32>
      %add3A_232 = arith.addf %mul3A_229, %add3A_231 : vector<2x768xf32>
      %slice3A_233 = vector.extract_strided_slice %sub3A_181 {offsets = [6, 0], sizes = [2, 768], strides = [1, 1]} : vector<8x768xf32> to vector<2x768xf32>
      %add3A_234 = arith.addf %add3A_232, %slice3A_233 : vector<2x768xf32>
      %mul3A_235 = arith.mulf %add3A_232, %tanh3A_220 : vector<2x768xf32>
      %sub3A_236 = arith.subf %add3A_234, %mul3A_235 : vector<2x768xf32>
      %tanh3A_237 = math.tanh %sub3A_236 : vector<2x768xf32>
      %mul3A_238 = arith.constant 5.000000e-01 : f32
      %mul3A_239 = vector.broadcast %mul3A_238 : f32 to vector<2x768xf32>
      %mul3A_240 = arith.mulf %mul3A_239, %tanh3A_237 : vector<2x768xf32>
      %add3A_241 = arith.constant 5.000000e-01 : f32
      %add3A_242 = vector.broadcast %add3A_241 : f32 to vector<2x768xf32>
      %add3A_243 = arith.addf %mul3A_240, %add3A_242 : vector<2x768xf32>
      %mul3A_244 = arith.constant 4.500000e-01 : f32
      %mul3A_245 = vector.broadcast %mul3A_244 : f32 to vector<2x768xf32>
      %mul3A_246 = arith.mulf %mul3A_245, %sub3A_236 : vector<2x768xf32>
      %add3A_247 = arith.constant 0.899999976 : f32
      %add3A_248 = vector.broadcast %add3A_247 : f32 to vector<2x768xf32>
      %add3A_249 = arith.addf %mul3A_246, %add3A_248 : vector<2x768xf32>
      %concatenate3A_250 = tpu.concatenate %add3A_192, %add3A_209, %add3A_226, %add3A_243 in 0 : vector<2x768xf32>, vector<2x768xf32>, vector<2x768xf32>, vector<2x768xf32> -> vector<8x768xf32>
      %mul3A_251 = arith.constant 16 : i32
      %mul3A_252 = arith.muli %mul3A_251, %scan3A_82 : i32
      %add3A_253 = arith.constant 8 : i32
      %add3A_254 = arith.addi %mul3A_252, %add3A_253 : i32
      %swap3A_255 = arith.index_cast %add3A_254 : i32 to index
      %swap3A_256 = arith.constant 0 : index
      %swap3A_257 = vector.load %arg10[%swap3A_255, %swap3A_256] : memref<1024x768xf32, #tpu.memory_space<vmem>>, vector<8x768xf32>
      tpu.vector_store %arg10[%swap3A_255, %swap3A_256], %concatenate3A_250 {strides = array<i32>} : memref<1024x768xf32, #tpu.memory_space<vmem>>, vector<8x768xf32>,
      scf.yield %tanh3A_237, %add3A_249 : vector<2x768xf32>, vector<2x768xf32>
    }
    %scan3A_24 = arith.constant 64 : i32
    %swap3A_25 = arith.constant 0 : index
    %swap3A_26 = arith.constant 0 : index
    %swap3A_27 = vector.load %arg11[%swap3A_25, %swap3A_26] : memref<4x768xf32, #tpu.memory_space<vmem>>, vector<2x768xf32>
    tpu.vector_store %arg11[%swap3A_25, %swap3A_26], %scan3A_23#0 {strides = array<i32>} : memref<4x768xf32, #tpu.memory_space<vmem>>, vector<2x768xf32>,
    %swap3A_28 = arith.constant 2 : index
    %swap3A_29 = arith.constant 0 : index
    %swap3A_30 = vector.load %arg11[%swap3A_28, %swap3A_29] : memref<4x768xf32, #tpu.memory_space<vmem>>, vector<2x768xf32>
    tpu.vector_store %arg11[%swap3A_28, %swap3A_29], %scan3A_23#1 {strides = array<i32>} : memref<4x768xf32, #tpu.memory_space<vmem>>, vector<2x768xf32>,
    %get3A_31 = arith.constant 0 : index
    %get3A_32 = arith.constant 0 : index
    %get3A_33 = vector.load %arg10[%get3A_31, %get3A_32] : memref<1024x768xf32, #tpu.memory_space<vmem>>, vector<1024x768xf32>
    %get3A_34 = arith.constant 0 : index
    %get3A_35 = arith.constant 0 : index
    %get3A_36 = vector.load %arg4[%get3A_34, %get3A_35] : memref<768x768xf32, #tpu.memory_space<vmem>>, vector<768x768xf32>
    %dot_general3A_37 = arith.constant dense<0.000000e+00> : vector<1024x768xf32>
    %dot_general3A_38 = tpu.matmul %get3A_33, %get3A_36, %dot_general3A_37 {dimension_numbers = #tpu.dot_dimension_numbers<[1], [0], [0], [1], [0, 0, 1, 1], [], []>, transpose_lhs_hint = false} : vector<1024x768xf32>, vector<768x768xf32>, vector<1024x768xf32> -> vector<1024x768xf32>
    %get3A_39 = arith.constant 0 : index
    %get3A_40 = arith.constant 0 : index
    %get3A_41 = vector.load %arg5[%get3A_39, %get3A_40] : memref<1x768xf32, #tpu.memory_space<vmem>>, vector<1x768xf32>
    %add3A_42 = vector.broadcast %get3A_41 : vector<1x768xf32> to vector<1024x768xf32>
    %add3A_43 = arith.addf %dot_general3A_38, %add3A_42 : vector<1024x768xf32>
    %swap3A_44 = arith.constant 0 : index
    %swap3A_45 = arith.constant 0 : index
    %swap3A_46 = vector.load %arg9[%swap3A_44, %swap3A_45] : memref<1024x768xf32, #tpu.memory_space<vmem>>, vector<1024x768xf32>
    tpu.vector_store %arg9[%swap3A_44, %swap3A_45], %add3A_43 {strides = array<i32>} : memref<1024x768xf32, #tpu.memory_space<vmem>>, vector<1024x768xf32>,
    %get3A_47 = arith.constant 0 : index
    %get3A_48 = arith.constant 0 : index
    %get3A_49 = vector.load %arg12[%get3A_47, %get3A_48] : memref<4x768xf32, #tpu.memory_space<vmem>>, vector<2x768xf32>
    %get3A_50 = arith.constant 2 : index
    %get3A_51 = arith.constant 0 : index
    %get3A_52 = vector.load %arg12[%get3A_50, %get3A_51] : memref<4x768xf32, #tpu.memory_space<vmem>>, vector<2x768xf32>
    %scan3A_53 = arith.constant 0 : i32
    %scan3A_54 = arith.constant 64 : i32
    %scan3A_55 = arith.addi %scan3A_53, %scan3A_54 : i32
    %scan3A_56 = arith.constant 1 : i32
    %scan3A_57:2 = scf.for %scan3A_82 = %scan3A_53 to %scan3A_55 step %scan3A_56 iter_args(%scan3A_83 = %get3A_49, %scan3A_84 = %get3A_52) -> (vector<2x768xf32>, vector<2x768xf32>)  : i32 {
      %mul3A = arith.constant 16 : i32
      %mul3A_85 = arith.muli %mul3A, %scan3A_82 : i32
      %get3A_86 = arith.index_cast %mul3A_85 : i32 to index
      %get3A_87 = arith.constant 0 : index
      %get3A_88 = vector.load %arg9[%get3A_86, %get3A_87] : memref<1024x768xf32, #tpu.memory_space<vmem>>, vector<8x768xf32>
      %mul3A_89 = arith.constant 16 : i32
      %mul3A_90 = arith.muli %mul3A_89, %scan3A_82 : i32
      %add3A_91 = arith.constant 8 : i32
      %add3A_92 = arith.addi %mul3A_90, %add3A_91 : i32
      %get3A_93 = arith.index_cast %add3A_92 : i32 to index
      %get3A_94 = arith.constant 0 : index
      %get3A_95 = vector.load %arg9[%get3A_93, %get3A_94] : memref<1024x768xf32, #tpu.memory_space<vmem>>, vector<8x768xf32>
      %mul3A_96 = arith.constant 2.000000e+00 : f32
      %mul3A_97 = vector.broadcast %mul3A_96 : f32 to vector<8x768xf32>
      %mul3A_98 = arith.mulf %mul3A_97, %get3A_88 : vector<8x768xf32>
      %sub3A = arith.constant 2.000000e+00 : f32
      %sub3A_99 = vector.broadcast %sub3A : f32 to vector<8x768xf32>
      %sub3A_100 = arith.subf %mul3A_98, %sub3A_99 : vector<8x768xf32>
      %mul3A_101 = arith.constant 2.000000e+00 : f32
      %mul3A_102 = vector.broadcast %mul3A_101 : f32 to vector<8x768xf32>
      %mul3A_103 = arith.mulf %mul3A_102, %get3A_95 : vector<8x768xf32>
      %sub3A_104 = arith.constant 2.000000e+00 : f32
      %sub3A_105 = vector.broadcast %sub3A_104 : f32 to vector<8x768xf32>
      %sub3A_106 = arith.subf %mul3A_103, %sub3A_105 : vector<8x768xf32>
      %slice3A = vector.extract_strided_slice %sub3A_100 {offsets = [0, 0], sizes = [2, 768], strides = [1, 1]} : vector<8x768xf32> to vector<2x768xf32>
      %add3A_107 = arith.addf %scan3A_84, %slice3A : vector<2x768xf32>
      %mul3A_108 = arith.mulf %scan3A_84, %scan3A_83 : vector<2x768xf32>
      %sub3A_109 = arith.subf %add3A_107, %mul3A_108 : vector<2x768xf32>
      %tanh3A = math.tanh %sub3A_109 : vector<2x768xf32>
      %mul3A_110 = arith.constant 5.000000e-01 : f32
      %mul3A_111 = vector.broadcast %mul3A_110 : f32 to vector<2x768xf32>
      %mul3A_112 = arith.mulf %mul3A_111, %tanh3A : vector<2x768xf32>
      %add3A_113 = arith.constant 5.000000e-01 : f32
      %add3A_114 = vector.broadcast %add3A_113 : f32 to vector<2x768xf32>
      %add3A_115 = arith.addf %mul3A_112, %add3A_114 : vector<2x768xf32>
      %mul3A_116 = arith.constant 4.500000e-01 : f32
      %mul3A_117 = vector.broadcast %mul3A_116 : f32 to vector<2x768xf32>
      %mul3A_118 = arith.mulf %mul3A_117, %sub3A_109 : vector<2x768xf32>
      %add3A_119 = arith.constant 0.899999976 : f32
      %add3A_120 = vector.broadcast %add3A_119 : f32 to vector<2x768xf32>
      %add3A_121 = arith.addf %mul3A_118, %add3A_120 : vector<2x768xf32>
      %slice3A_122 = vector.extract_strided_slice %sub3A_100 {offsets = [2, 0], sizes = [2, 768], strides = [1, 1]} : vector<8x768xf32> to vector<2x768xf32>
      %add3A_123 = arith.addf %add3A_121, %slice3A_122 : vector<2x768xf32>
      %mul3A_124 = arith.mulf %add3A_121, %tanh3A : vector<2x768xf32>
      %sub3A_125 = arith.subf %add3A_123, %mul3A_124 : vector<2x768xf32>
      %tanh3A_126 = math.tanh %sub3A_125 : vector<2x768xf32>
      %mul3A_127 = arith.constant 5.000000e-01 : f32
      %mul3A_128 = vector.broadcast %mul3A_127 : f32 to vector<2x768xf32>
      %mul3A_129 = arith.mulf %mul3A_128, %tanh3A_126 : vector<2x768xf32>
      %add3A_130 = arith.constant 5.000000e-01 : f32
      %add3A_131 = vector.broadcast %add3A_130 : f32 to vector<2x768xf32>
      %add3A_132 = arith.addf %mul3A_129, %add3A_131 : vector<2x768xf32>
      %mul3A_133 = arith.constant 4.500000e-01 : f32
      %mul3A_134 = vector.broadcast %mul3A_133 : f32 to vector<2x768xf32>
      %mul3A_135 = arith.mulf %mul3A_134, %sub3A_125 : vector<2x768xf32>
      %add3A_136 = arith.constant 0.899999976 : f32
      %add3A_137 = vector.broadcast %add3A_136 : f32 to vector<2x768xf32>
      %add3A_138 = arith.addf %mul3A_135, %add3A_137 : vector<2x768xf32>
      %slice3A_139 = vector.extract_strided_slice %sub3A_100 {offsets = [4, 0], sizes = [2, 768], strides = [1, 1]} : vector<8x768xf32> to vector<2x768xf32>
      %add3A_140 = arith.addf %add3A_138, %slice3A_139 : vector<2x768xf32>
      %mul3A_141 = arith.mulf %add3A_138, %tanh3A_126 : vector<2x768xf32>
      %sub3A_142 = arith.subf %add3A_140, %mul3A_141 : vector<2x768xf32>
      %tanh3A_143 = math.tanh %sub3A_142 : vector<2x768xf32>
      %mul3A_144 = arith.constant 5.000000e-01 : f32
      %mul3A_145 = vector.broadcast %mul3A_144 : f32 to vector<2x768xf32>
      %mul3A_146 = arith.mulf %mul3A_145, %tanh3A_143 : vector<2x768xf32>
      %add3A_147 = arith.constant 5.000000e-01 : f32
      %add3A_148 = vector.broadcast %add3A_147 : f32 to vector<2x768xf32>
      %add3A_149 = arith.addf %mul3A_146, %add3A_148 : vector<2x768xf32>
      %mul3A_150 = arith.constant 4.500000e-01 : f32
      %mul3A_151 = vector.broadcast %mul3A_150 : f32 to vector<2x768xf32>
      %mul3A_152 = arith.mulf %mul3A_151, %sub3A_142 : vector<2x768xf32>
      %add3A_153 = arith.constant 0.899999976 : f32
      %add3A_154 = vector.broadcast %add3A_153 : f32 to vector<2x768xf32>
      %add3A_155 = arith.addf %mul3A_152, %add3A_154 : vector<2x768xf32>
      %slice3A_156 = vector.extract_strided_slice %sub3A_100 {offsets = [6, 0], sizes = [2, 768], strides = [1, 1]} : vector<8x768xf32> to vector<2x768xf32>
      %add3A_157 = arith.addf %add3A_155, %slice3A_156 : vector<2x768xf32>
      %mul3A_158 = arith.mulf %add3A_155, %tanh3A_143 : vector<2x768xf32>
      %sub3A_159 = arith.subf %add3A_157, %mul3A_158 : vector<2x768xf32>
      %tanh3A_160 = math.tanh %sub3A_159 : vector<2x768xf32>
      %mul3A_161 = arith.constant 5.000000e-01 : f32
      %mul3A_162 = vector.broadcast %mul3A_161 : f32 to vector<2x768xf32>
      %mul3A_163 = arith.mulf %mul3A_162, %tanh3A_160 : vector<2x768xf32>
      %add3A_164 = arith.constant 5.000000e-01 : f32
      %add3A_165 = vector.broadcast %add3A_164 : f32 to vector<2x768xf32>
      %add3A_166 = arith.addf %mul3A_163, %add3A_165 : vector<2x768xf32>
      %mul3A_167 = arith.constant 4.500000e-01 : f32
      %mul3A_168 = vector.broadcast %mul3A_167 : f32 to vector<2x768xf32>
      %mul3A_169 = arith.mulf %mul3A_168, %sub3A_159 : vector<2x768xf32>
      %add3A_170 = arith.constant 0.899999976 : f32
      %add3A_171 = vector.broadcast %add3A_170 : f32 to vector<2x768xf32>
      %add3A_172 = arith.addf %mul3A_169, %add3A_171 : vector<2x768xf32>
      %slice3A_173 = vector.extract_strided_slice %sub3A_106 {offsets = [0, 0], sizes = [2, 768], strides = [1, 1]} : vector<8x768xf32> to vector<2x768xf32>
      %add3A_174 = arith.addf %add3A_172, %slice3A_173 : vector<2x768xf32>
      %mul3A_175 = arith.mulf %add3A_172, %tanh3A_160 : vector<2x768xf32>
      %sub3A_176 = arith.subf %add3A_174, %mul3A_175 : vector<2x768xf32>
      %tanh3A_177 = math.tanh %sub3A_176 : vector<2x768xf32>
      %mul3A_178 = arith.constant 5.000000e-01 : f32
      %mul3A_179 = vector.broadcast %mul3A_178 : f32 to vector<2x768xf32>
      %mul3A_180 = arith.mulf %mul3A_179, %tanh3A_177 : vector<2x768xf32>
      %add3A_181 = arith.constant 5.000000e-01 : f32
      %add3A_182 = vector.broadcast %add3A_181 : f32 to vector<2x768xf32>
      %add3A_183 = arith.addf %mul3A_180, %add3A_182 : vector<2x768xf32>
      %mul3A_184 = arith.constant 4.500000e-01 : f32
      %mul3A_185 = vector.broadcast %mul3A_184 : f32 to vector<2x768xf32>
      %mul3A_186 = arith.mulf %mul3A_185, %sub3A_176 : vector<2x768xf32>
      %add3A_187 = arith.constant 0.899999976 : f32
      %add3A_188 = vector.broadcast %add3A_187 : f32 to vector<2x768xf32>
      %add3A_189 = arith.addf %mul3A_186, %add3A_188 : vector<2x768xf32>
      %slice3A_190 = vector.extract_strided_slice %sub3A_106 {offsets = [2, 0], sizes = [2, 768], strides = [1, 1]} : vector<8x768xf32> to vector<2x768xf32>
      %add3A_191 = arith.addf %add3A_189, %slice3A_190 : vector<2x768xf32>
      %mul3A_192 = arith.mulf %add3A_189, %tanh3A_177 : vector<2x768xf32>
      %sub3A_193 = arith.subf %add3A_191, %mul3A_192 : vector<2x768xf32>
      %tanh3A_194 = math.tanh %sub3A_193 : vector<2x768xf32>
      %mul3A_195 = arith.constant 5.000000e-01 : f32
      %mul3A_196 = vector.broadcast %mul3A_195 : f32 to vector<2x768xf32>
      %mul3A_197 = arith.mulf %mul3A_196, %tanh3A_194 : vector<2x768xf32>
      %add3A_198 = arith.constant 5.000000e-01 : f32
      %add3A_199 = vector.broadcast %add3A_198 : f32 to vector<2x768xf32>
      %add3A_200 = arith.addf %mul3A_197, %add3A_199 : vector<2x768xf32>
      %mul3A_201 = arith.constant 4.500000e-01 : f32
      %mul3A_202 = vector.broadcast %mul3A_201 : f32 to vector<2x768xf32>
      %mul3A_203 = arith.mulf %mul3A_202, %sub3A_193 : vector<2x768xf32>
      %add3A_204 = arith.constant 0.899999976 : f32
      %add3A_205 = vector.broadcast %add3A_204 : f32 to vector<2x768xf32>
      %add3A_206 = arith.addf %mul3A_203, %add3A_205 : vector<2x768xf32>
      %slice3A_207 = vector.extract_strided_slice %sub3A_106 {offsets = [4, 0], sizes = [2, 768], strides = [1, 1]} : vector<8x768xf32> to vector<2x768xf32>
      %add3A_208 = arith.addf %add3A_206, %slice3A_207 : vector<2x768xf32>
      %mul3A_209 = arith.mulf %add3A_206, %tanh3A_194 : vector<2x768xf32>
      %sub3A_210 = arith.subf %add3A_208, %mul3A_209 : vector<2x768xf32>
      %tanh3A_211 = math.tanh %sub3A_210 : vector<2x768xf32>
      %mul3A_212 = arith.constant 5.000000e-01 : f32
      %mul3A_213 = vector.broadcast %mul3A_212 : f32 to vector<2x768xf32>
      %mul3A_214 = arith.mulf %mul3A_213, %tanh3A_211 : vector<2x768xf32>
      %add3A_215 = arith.constant 5.000000e-01 : f32
      %add3A_216 = vector.broadcast %add3A_215 : f32 to vector<2x768xf32>
      %add3A_217 = arith.addf %mul3A_214, %add3A_216 : vector<2x768xf32>
      %mul3A_218 = arith.constant 4.500000e-01 : f32
      %mul3A_219 = vector.broadcast %mul3A_218 : f32 to vector<2x768xf32>
      %mul3A_220 = arith.mulf %mul3A_219, %sub3A_210 : vector<2x768xf32>
      %add3A_221 = arith.constant 0.899999976 : f32
      %add3A_222 = vector.broadcast %add3A_221 : f32 to vector<2x768xf32>
      %add3A_223 = arith.addf %mul3A_220, %add3A_222 : vector<2x768xf32>
      %slice3A_224 = vector.extract_strided_slice %sub3A_106 {offsets = [6, 0], sizes = [2, 768], strides = [1, 1]} : vector<8x768xf32> to vector<2x768xf32>
      %add3A_225 = arith.addf %add3A_223, %slice3A_224 : vector<2x768xf32>
      %mul3A_226 = arith.mulf %add3A_223, %tanh3A_211 : vector<2x768xf32>
      %sub3A_227 = arith.subf %add3A_225, %mul3A_226 : vector<2x768xf32>
      %tanh3A_228 = math.tanh %sub3A_227 : vector<2x768xf32>
      %mul3A_229 = arith.constant 5.000000e-01 : f32
      %mul3A_230 = vector.broadcast %mul3A_229 : f32 to vector<2x768xf32>
      %mul3A_231 = arith.mulf %mul3A_230, %tanh3A_228 : vector<2x768xf32>
      %add3A_232 = arith.constant 5.000000e-01 : f32
      %add3A_233 = vector.broadcast %add3A_232 : f32 to vector<2x768xf32>
      %add3A_234 = arith.addf %mul3A_231, %add3A_233 : vector<2x768xf32>
      %mul3A_235 = arith.constant 4.500000e-01 : f32
      %mul3A_236 = vector.broadcast %mul3A_235 : f32 to vector<2x768xf32>
      %mul3A_237 = arith.mulf %mul3A_236, %sub3A_227 : vector<2x768xf32>
      %add3A_238 = arith.constant 0.899999976 : f32
      %add3A_239 = vector.broadcast %add3A_238 : f32 to vector<2x768xf32>
      %add3A_240 = arith.addf %mul3A_237, %add3A_239 : vector<2x768xf32>
      %slice3A_241 = vector.extract_strided_slice %add3A_115 {offsets = [0, 0], sizes = [1, 768], strides = [1, 1]} : vector<2x768xf32> to vector<1x768xf32>
      %slice3A_242 = vector.extract_strided_slice %add3A_132 {offsets = [0, 0], sizes = [1, 768], strides = [1, 1]} : vector<2x768xf32> to vector<1x768xf32>
      %slice3A_243 = vector.extract_strided_slice %add3A_149 {offsets = [0, 0], sizes = [1, 768], strides = [1, 1]} : vector<2x768xf32> to vector<1x768xf32>
      %slice3A_244 = vector.extract_strided_slice %add3A_166 {offsets = [0, 0], sizes = [1, 768], strides = [1, 1]} : vector<2x768xf32> to vector<1x768xf32>
      %slice3A_245 = vector.extract_strided_slice %add3A_183 {offsets = [0, 0], sizes = [1, 768], strides = [1, 1]} : vector<2x768xf32> to vector<1x768xf32>
      %slice3A_246 = vector.extract_strided_slice %add3A_200 {offsets = [0, 0], sizes = [1, 768], strides = [1, 1]} : vector<2x768xf32> to vector<1x768xf32>
      %slice3A_247 = vector.extract_strided_slice %add3A_217 {offsets = [0, 0], sizes = [1, 768], strides = [1, 1]} : vector<2x768xf32> to vector<1x768xf32>
      %slice3A_248 = vector.extract_strided_slice %add3A_234 {offsets = [0, 0], sizes = [1, 768], strides = [1, 1]} : vector<2x768xf32> to vector<1x768xf32>
      %concatenate3A = tpu.concatenate %slice3A_241, %slice3A_242, %slice3A_243, %slice3A_244, %slice3A_245, %slice3A_246, %slice3A_247, %slice3A_248 in 0 : vector<1x768xf32>, vector<1x768xf32>, vector<1x768xf32>, vector<1x768xf32>, vector<1x768xf32>, vector<1x768xf32>, vector<1x768xf32>, vector<1x768xf32> -> vector<8x768xf32>
      %mul3A_249 = arith.constant 8 : i32
      %mul3A_250 = arith.muli %mul3A_249, %scan3A_82 : i32
      %add3A_251 = arith.constant 0 : i32
      %add3A_252 = arith.addi %add3A_251, %mul3A_250 : i32
      %swap3A_253 = arith.index_cast %add3A_252 : i32 to index
      %swap3A_254 = arith.constant 0 : index
      %swap3A_255 = vector.load %arg10[%swap3A_253, %swap3A_254] : memref<1024x768xf32, #tpu.memory_space<vmem>>, vector<8x768xf32>
      tpu.vector_store %arg10[%swap3A_253, %swap3A_254], %concatenate3A {strides = array<i32>} : memref<1024x768xf32, #tpu.memory_space<vmem>>, vector<8x768xf32>,
      %slice3A_256 = vector.extract_strided_slice %add3A_115 {offsets = [1, 0], sizes = [1, 768], strides = [1, 1]} : vector<2x768xf32> to vector<1x768xf32>
      %slice3A_257 = vector.extract_strided_slice %add3A_132 {offsets = [1, 0], sizes = [1, 768], strides = [1, 1]} : vector<2x768xf32> to vector<1x768xf32>
      %slice3A_258 = vector.extract_strided_slice %add3A_149 {offsets = [1, 0], sizes = [1, 768], strides = [1, 1]} : vector<2x768xf32> to vector<1x768xf32>
      %slice3A_259 = vector.extract_strided_slice %add3A_166 {offsets = [1, 0], sizes = [1, 768], strides = [1, 1]} : vector<2x768xf32> to vector<1x768xf32>
      %slice3A_260 = vector.extract_strided_slice %add3A_183 {offsets = [1, 0], sizes = [1, 768], strides = [1, 1]} : vector<2x768xf32> to vector<1x768xf32>
      %slice3A_261 = vector.extract_strided_slice %add3A_200 {offsets = [1, 0], sizes = [1, 768], strides = [1, 1]} : vector<2x768xf32> to vector<1x768xf32>
      %slice3A_262 = vector.extract_strided_slice %add3A_217 {offsets = [1, 0], sizes = [1, 768], strides = [1, 1]} : vector<2x768xf32> to vector<1x768xf32>
      %slice3A_263 = vector.extract_strided_slice %add3A_234 {offsets = [1, 0], sizes = [1, 768], strides = [1, 1]} : vector<2x768xf32> to vector<1x768xf32>
      %concatenate3A_264 = tpu.concatenate %slice3A_256, %slice3A_257, %slice3A_258, %slice3A_259, %slice3A_260, %slice3A_261, %slice3A_262, %slice3A_263 in 0 : vector<1x768xf32>, vector<1x768xf32>, vector<1x768xf32>, vector<1x768xf32>, vector<1x768xf32>, vector<1x768xf32>, vector<1x768xf32>, vector<1x768xf32> -> vector<8x768xf32>
      %mul3A_265 = arith.constant 8 : i32
      %mul3A_266 = arith.muli %mul3A_265, %scan3A_82 : i32
      %add3A_267 = arith.constant 512 : i32
      %add3A_268 = arith.addi %add3A_267, %mul3A_266 : i32
      %swap3A_269 = arith.index_cast %add3A_268 : i32 to index
      %swap3A_270 = arith.constant 0 : index
      %swap3A_271 = vector.load %arg10[%swap3A_269, %swap3A_270] : memref<1024x768xf32, #tpu.memory_space<vmem>>, vector<8x768xf32>
      tpu.vector_store %arg10[%swap3A_269, %swap3A_270], %concatenate3A_264 {strides = array<i32>} : memref<1024x768xf32, #tpu.memory_space<vmem>>, vector<8x768xf32>,
      scf.yield %tanh3A_228, %add3A_240 : vector<2x768xf32>, vector<2x768xf32>
    }
    %scan3A_58 = arith.constant 64 : i32
    %swap3A_59 = arith.constant 0 : index
    %swap3A_60 = arith.constant 0 : index
    %swap3A_61 = vector.load %arg12[%swap3A_59, %swap3A_60] : memref<4x768xf32, #tpu.memory_space<vmem>>, vector<2x768xf32>
    tpu.vector_store %arg12[%swap3A_59, %swap3A_60], %scan3A_57#0 {strides = array<i32>} : memref<4x768xf32, #tpu.memory_space<vmem>>, vector<2x768xf32>,
    %swap3A_62 = arith.constant 2 : index
    %swap3A_63 = arith.constant 0 : index
    %swap3A_64 = vector.load %arg12[%swap3A_62, %swap3A_63] : memref<4x768xf32, #tpu.memory_space<vmem>>, vector<2x768xf32>
    tpu.vector_store %arg12[%swap3A_62, %swap3A_63], %scan3A_57#1 {strides = array<i32>} : memref<4x768xf32, #tpu.memory_space<vmem>>, vector<2x768xf32>,
    %get3A_65 = arith.constant 0 : index
    %get3A_66 = arith.constant 0 : index
    %get3A_67 = vector.load %arg10[%get3A_65, %get3A_66] : memref<1024x768xf32, #tpu.memory_space<vmem>>, vector<1024x768xf32>
    %get3A_68 = arith.constant 0 : index
    %get3A_69 = arith.constant 0 : index
    %get3A_70 = vector.load %arg6[%get3A_68, %get3A_69] : memref<768x1000xf32, #tpu.memory_space<vmem>>, vector<768x1000xf32>
    %dot_general3A_71 = arith.constant dense<0.000000e+00> : vector<1024x1000xf32>
    %dot_general3A_72 = tpu.matmul %get3A_67, %get3A_70, %dot_general3A_71 {dimension_numbers = #tpu.dot_dimension_numbers<[1], [0], [0], [1], [0, 0, 1, 1], [], []>, transpose_lhs_hint = false} : vector<1024x768xf32>, vector<768x1000xf32>, vector<1024x1000xf32> -> vector<1024x1000xf32>
    %get3A_73 = arith.constant 0 : index
    %get3A_74 = arith.constant 0 : index
    %get3A_75 = vector.load %arg7[%get3A_73, %get3A_74] : memref<1x1000xf32, #tpu.memory_space<vmem>>, vector<1x1000xf32>
    %add3A_76 = vector.broadcast %get3A_75 : vector<1x1000xf32> to vector<1024x1000xf32>
    %add3A_77 = arith.addf %dot_general3A_72, %add3A_76 : vector<1024x1000xf32>
    %reshape3A = vector.shape_cast %add3A_77 : vector<1024x1000xf32> to vector<2x512x1000xf32>
    %swap3A_78 = arith.constant 0 : index
    %swap3A_79 = arith.constant 0 : index
    %swap3A_80 = arith.constant 0 : index
    %swap3A_81 = vector.load %arg8[%swap3A_78, %swap3A_79, %swap3A_80] : memref<2x512x1000xf32, #tpu.memory_space<vmem>>, vector<2x512x1000xf32>
    tpu.vector_store %arg8[%swap3A_78, %swap3A_79, %swap3A_80], %reshape3A {strides = array<i32>} : memref<2x512x1000xf32, #tpu.memory_space<vmem>>, vector<2x512x1000xf32>,
    return
  }
  func.func @transform_0(%arg0: i32) -> (i32, i32) {
    %c0_i32 = arith.constant 0 : i32
    %c0_i32_0 = arith.constant 0 : i32
    return %arg0, %c0_i32 : i32, i32
  }
  func.func @transform_1(%arg0: i32) -> (i32, i32) {
    %c0_i32 = arith.constant 0 : i32
    %c0_i32_0 = arith.constant 0 : i32
    %c0_i32_1 = arith.constant 0 : i32
    return %c0_i32, %c0_i32_0 : i32, i32
  }
  func.func @transform_2(%arg0: i32) -> (i32, i32) {
    %c0_i32 = arith.constant 0 : i32
    %c0_i32_0 = arith.constant 0 : i32
    %c0_i32_1 = arith.constant 0 : i32
    return %c0_i32, %c0_i32_0 : i32, i32
  }
  func.func @transform_3(%arg0: i32) -> (i32, i32) {
    %c0_i32 = arith.constant 0 : i32
    %c0_i32_0 = arith.constant 0 : i32
    %c0_i32_1 = arith.constant 0 : i32
    return %c0_i32, %c0_i32_0 : i32, i32
  }
  func.func @transform_4(%arg0: i32) -> (i32, i32) {
    %c0_i32 = arith.constant 0 : i32
    %c0_i32_0 = arith.constant 0 : i32
    %c0_i32_1 = arith.constant 0 : i32
    return %c0_i32, %c0_i32_0 : i32, i32
  }
  func.func @transform_5(%arg0: i32) -> (i32, i32) {
    %c0_i32 = arith.constant 0 : i32
    %c0_i32_0 = arith.constant 0 : i32
    %c0_i32_1 = arith.constant 0 : i32
    return %c0_i32, %c0_i32_0 : i32, i32
  }
  func.func @transform_6(%arg0: i32) -> (i32, i32) {
    %c0_i32 = arith.constant 0 : i32
    %c0_i32_0 = arith.constant 0 : i32
    %c0_i32_1 = arith.constant 0 : i32
    return %c0_i32, %c0_i32_0 : i32, i32
  }
  func.func @transform_7(%arg0: i32) -> (i32, i32, i32) {
    %c0_i32 = arith.constant 0 : i32
    %c0_i32_0 = arith.constant 0 : i32
    %c0_i32_1 = arith.constant 0 : i32
    return %c0_i32, %arg0, %c0_i32_0 : i32, i32, i32
  }
}

</mosaic_0001>

<sc_bundles>
// kernel: kernel.4.cloned.1.call-start
scs
__scs_entry_jumppad:
0x0: {  	(pc) =	sbr.rel $0x88, $3  }
0x1: {  	(tag) =	ssettag $0x0;
	lr =	simm.s32 $0x1  }
0x2: {  	[smem:$0x3F99] =	sst lr;
	_ =	strace $0xD0000000  }
0x3: {  	_ = 	snop  }
0x4: {  	_ = 	snop  }
0x5: {  	_ = 	snop  }
0x6: {  	_ = 	snop  }
0x7: {  	_ = 	snop  }
__scs_overlays_trampoline_lowered:
0x8: {  	[smem:$0x3FA8] =	sst s0  }
0x9: {  	[smem:$0x3FA9] =	sst s1  }
0xa: {  	[smem:$0x3FAA] =	sst s2  }
0xb: {  	[smem:$0x3FAB] =	sst s3  }
0xc: {  	[smem:$0x3FAC] =	sst s4  }
0xd: {  	[smem:$0x3FAD] =	sst s5  }
0xe: {  	[smem:$0x3FAE] =	sst s6  }
0xf: {  	[smem:$0x3FAF] =	sst s7  }
0x10: {  	[smem:$0x3FB0] =	sst s8  }
0x11: {  	[smem:$0x3FB1] =	sst s9;
	s0 =	simm.s32 @!p0 $0x0  }
0x12: {  	s1 =	sld [smem:$0x3F97];
	s0 =	simm.s32 @p0 $0x1  }
0x13: {  	[smem:$0x3FB2] =	sst s0;
	s0 =	simm.s32 @!p1 $0x0  }
0x14: {  	s2 =	sld [smem:$0x3F96];
	s0 =	simm.s32 @p1 $0x1  }
0x15: {  	[smem:$0x3FB3] =	sst s0;
	s0 =	simm.s32 @!p2 $0x0  }
0x16: {  	s3 =	sld [smem:$0x3FDB];
	s0 =	simm.s32 @p2 $0x1  }
0x17: {  	s4 =	simm.s32 $0x1BF5;
	[smem:$0x3FB5] =	sst s0  }
0x18: {  	s0 =	sld [smem:$0x3F98];
	_ =	swait.ge [sflag:s4], $0x0  }
0x19: {  	s7 =	sld [smem:$0x3F99]  }
0x1a: {  	s8 =	sadd.s32 $0xFFFFE003, lr  }
0x1b: {  	s9 =	sadd.s32 $0xFFFFFEF7, lr;
	s5 =	simm.s32 $0xFFFFFFFF;
	p2 =	slt.u32 s8, $0xFFFFF086  }
0x1c: {  	p1 =	slt.u32 s9, $0xF7A;
	s5 =	simm.s32 @!p2 $0x0  }
0x1d: {  	s5 =	simm.s32 @p1 $0x1;
	p0 =	seq.s32 s7, s2  }
0x1e: {  	s7 =	smul.u32 @!p0 $0xF7A, s2;
	p2 =	seq.s32 @!p0 s5, $0x0  }
0x1f: {  	s9 =	smul.u32 $0xF7A, s1;
	s8 =	simm.s32 @!p0 $0x1BF5;
	p2 =	por !p2, p0  }
0x20: {  	[sflag:s8] =	ssyncset.s32 @!p0 $0xFFFFF086;
	s6 =	sadd.s32 @!p0 s3, s7;
	s7 =	simm.s32 @!p0 $0x108  }
0x21: {  	s3 =	sadd.s32 s3, s9;
	s6 =	sadd.s32 @!p0 $0x88, s6;
	s7 =	simm.s32 @p2 $0x1082  }
0x22: {  	[simem:s7], [sflag:s8] =	dma.local @!p0 [hbm:s6], $0xF7A  }
0x23: {  	s9 =	sor.u32 $0xD0000000, s2;
	s6 =	simm.s32 $0x108;
	_ =	swait.ge @!p0 [sflag:s8], $0x0  }
0x24: {  	s3 =	sadd.s32 $0x88, s3;
	s6 =	simm.s32 @!p1 $0x1082;
	[sflag:s4] =	ssyncset.s32 $0xFFFFF086  }
0x25: {  	[simem:s6], [sflag:s4] =	dma.local [hbm:s3], $0xF7A  }
0x26: {  	[smem:$0x3F99] =	sst s1;
	(tag) =	ssettag s2;
	_ =	strace s9  }
0x27: {  	s1 =	sld [smem:$0x3FA9]  }
0x28: {  	s2 =	sld [smem:$0x3FAA]  }
0x29: {  	s4 =	sld [smem:$0x3FAC]  }
0x2a: {  	p0 =	seq.s32 s5, $0x0;
	s5 =	sld [smem:$0x3FAD]  }
0x2b: {  	s6 =	sld [smem:$0x3FAE]  }
0x2c: {  	s7 =	sld [smem:$0x3FAF]  }
0x2d: {  	s3 =	simm.s32 $0x108;
	s8 =	sld [smem:$0x3FB0]  }
0x2e: {  	s3 =	simm.s32 @!p0 $0x1082;
	s9 =	sld [smem:$0x3FB1]  }
0x2f: {  	lr =	sadd.s32 s0, s3;
	s0 =	sld [smem:$0x3FA8]  }
0x30: {  	s3 =	sld [smem:$0x3FAB]  }
0x31: {  	[smem:$0x3FB4] =	sst s10  }
0x32: {  	s10 =	sld [smem:$0x3FB2];
	_ =	sdelay $0x3  }
0x33: {  	p0 =	seq.s32 s10, $0x1;
	s10 =	sld [smem:$0x3FB4];
	_ =	sdelay $0x3  }
0x34: {  	[smem:$0x3FB4] =	sst s10  }
0x35: {  	s10 =	sld [smem:$0x3FB3];
	_ =	sdelay $0x3  }
0x36: {  	p1 =	seq.s32 s10, $0x1;
	s10 =	sld [smem:$0x3FB4];
	_ =	sdelay $0x3  }
0x37: {  	[smem:$0x3FB4] =	sst s10  }
0x38: {  	s10 =	sld [smem:$0x3FB5]  }
0x39: {  	_ = 	snop;
	(pc) =	sbr.ind lr, $3  }
0x3a: {  	_ = 	snop  }
0x3b: {  	_ = 	snop  }
0x3c: {  	p2 =	seq.s32 s10, $0x1;
	s10 =	sld [smem:$0x3FB4]  }
0x3d: {  	_ =	shalt  }
0x3e: {  	_ =	shalt  }
0x3f: {  	_ =	shalt  }
0x40: {  	_ =	shalt  }
0x41: {  	_ =	shalt  }
0x42: {  	_ =	shalt  }
0x43: {  	_ =	shalt  }
0x44: {  	_ =	shalt  }
0x45: {  	_ =	shalt  }
0x46: {  	_ =	shalt  }
0x47: {  	_ =	shalt  }
0x48: {  	_ =	shalt  }
0x49: {  	_ =	shalt  }
0x4a: {  	_ =	shalt  }
0x4b: {  	_ =	shalt  }
0x4c: {  	_ =	shalt  }
0x4d: {  	_ =	shalt  }
0x4e: {  	_ =	shalt  }
0x4f: {  	_ =	shalt  }
0x50: {  	_ =	shalt  }
0x51: {  	_ =	shalt  }
0x52: {  	_ =	shalt  }
0x53: {  	_ =	shalt  }
0x54: {  	_ =	shalt  }
0x55: {  	_ =	shalt  }
0x56: {  	_ =	shalt  }
0x57: {  	_ =	shalt  }
0x58: {  	_ =	shalt  }
0x59: {  	_ =	shalt  }
0x5a: {  	_ =	shalt  }
0x5b: {  	_ =	shalt  }
0x5c: {  	_ =	shalt  }
0x5d: {  	_ =	shalt  }
0x5e: {  	_ =	shalt  }
0x5f: {  	_ =	shalt  }
0x60: {  	_ =	shalt  }
0x61: {  	_ =	shalt  }
0x62: {  	_ =	shalt  }
0x63: {  	_ =	shalt  }
0x64: {  	_ =	shalt  }
0x65: {  	_ =	shalt  }
0x66: {  	_ =	shalt  }
0x67: {  	_ =	shalt  }
0x68: {  	_ =	shalt  }
0x69: {  	_ =	shalt  }
0x6a: {  	_ =	shalt  }
0x6b: {  	_ =	shalt  }
0x6c: {  	_ =	shalt  }
0x6d: {  	_ =	shalt  }
0x6e: {  	_ =	shalt  }
0x6f: {  	_ =	shalt  }
0x70: {  	_ =	shalt  }
0x71: {  	_ =	shalt  }
0x72: {  	_ =	shalt  }
0x73: {  	_ =	shalt  }
0x74: {  	_ =	shalt  }
0x75: {  	_ =	shalt  }
0x76: {  	_ =	shalt  }
0x77: {  	_ =	shalt  }
0x78: {  	_ =	shalt  }
0x79: {  	_ =	shalt  }
0x7a: {  	_ =	shalt  }
0x7b: {  	_ =	shalt  }
0x7c: {  	_ =	shalt  }
0x7d: {  	_ =	shalt  }
0x7e: {  	_ =	shalt  }
0x7f: {  	_ =	shalt  }
0x80: {  	_ =	shalt  }
0x81: {  	_ =	shalt  }
0x82: {  	_ =	shalt  }
0x83: {  	_ =	shalt  }
0x84: {  	_ =	shalt  }
0x85: {  	_ =	shalt  }
0x86: {  	_ =	shalt  }
0x87: {  	_ =	shalt  }
.Lfunc_end0:
.L_simem_size_0:
called_computation_lowered:
.L_overlay_start_0:
0x88: {  	s2 =	sld [smem:$0x3FD9]  }
0x89: {  	s3 =	sld [smem:$0x3FFE];
	_ =	sdelay $0x1  }
0x8a: {  	s1 =	srdreg.scid  }
0x8b: {  	s0 =	sand.u32 $0x1, s1  }
0x8c: {  	s17 =	sshll.u32 s0, $0xA;
	s2 =	sadd.s32 s3, s2  }
0x8d: {  	s2 =	sadd.s32 s2, s17  }
0x8e: {  	[smem:$0x3FC0] =	sst s2  }
0x8f: {  	_ = 	snop  }
0x90: {  	s2 =	sld [smem:$0x3FC8]  }
0x91: {  	s18 =	sld [smem:$0x3FD0];
	(tm) =	ssettm $0x1  }
0x92: {  	s4 =	sld [smem:$0x3FFB];
	_ =	sdelay $0x3  }
0x93: {  	_ =	strace s4  }
0x94: {  	s4 =	sld [smem:$0x3FFC];
	_ =	sdelay $0x3  }
0x95: {  	_ =	strace s4  }
0x96: {  	s4 =	sld [smem:$0x3FFD];
	_ =	sdelay $0x3  }
0x97: {  	_ =	strace s4  }
0x98: {  	_ =	strace $0x8FFFFFFF  }
0x99: {  	s19 =	sld [smem:$0x3FDB];
	_ =	sdelay $0x1  }
0x9a: {  	s5 =	simm.s32 $_scs_section_size  }
0x9b: {  	s6 =	simm.s32 $_size__tile_overlayer_lowered;
	s7 =	simm.s32 $_tile_overlayer_lowered  }
0x9c: {  	s22 =	simm.s32 $0x1BFF;
	s21 =	sshll.u32 s7, $0x1;
	s4 =	sadd.s32 s5, s19  }
0x9d: {  	s8 =	simm.s32 $0x0;
	s20 =	sshll.u32 s6, $0x1;
	s6 =	sadd.s32 s21, s4  }
0x9e: {  	[timem:s8], [sflag:s22] =	dma.local [hbm:s6], s20  }
0x9f: {  	_ =	swait.ge [sflag:s22], s20  }
0xa0: {  	s5 =	ssub.s32 $0x0, s20;
	[sflag:s22] =	ssyncset.done $0x0  }
0xa1: {  	[sflag:s22] =	ssyncadd.s32 s5;
	_ =	sdelay $0x1  }
0xa2: {  	s23 =	simm.s32 $0x1B8B  }
0xa3: {  	_ =	swait.ge [sflag:s23], $0x1  }
0xa4: {  	[sflag:s23] =	ssyncset.done $0x0  }
0xa5: {  	s25 =	simm.s32 $0x1B8E;
	s24 =	sld [smem:$0x3FFE];
	[sflag:s23] =	ssyncadd.s32 $0xFFFFFFFF  }
0xa6: {  	s26 =	simm.s32 $execute0_lowered;
	[smem:$0x3FD2] =	sst s25  }
0xa7: {  	s6 =	sshll.u32 s26, $0x1;
	_ =	strace $0x80000046;
	[dreg:$0x1] =	wrdreg $0xFFFFFFFF  }
0xa8: {  	s28 =	simm.s32 $_size_execute0_lowered;
	s4 =	sadd.s32 s4, s6;
	[dreg:$0x0] =	wrdreg $0x0  }
0xa9: {  	s6 =	sshll.u32 s28, $0x1;
	[dreg:$0x2] =	wrdreg s4  }
0xaa: {  	[dreg:$0x3] =	wrdreg s6  }
0xab: {  	[dreg:$0x4] =	wrdreg $0xC0  }
0xac: {  	_ =	task [dreg:s8], $0x5FFFF  }
0xad: {  	[dreg:$0x1] =	wrdreg $0xFFFFFFFF  }
0xae: {  	[dreg:$0x0] =	wrdreg $0x60  }
0xaf: {  	[dreg:$0x2] =	wrdreg s2  }
0xb0: {  	[dreg:$0x3] =	wrdreg s24  }
0xb1: {  	[dreg:$0x4] =	wrdreg s18  }
0xb2: {  	[dreg:$0x5] =	wrdreg $0x9  }
0xb3: {  	_ =	task.clear_ibuf [dreg:s8], $0x6FFFF;
	_ =	strace $0x90000046  }
0xb4: {  	s29 =	simm.s32 $0x9;
	_ =	strace $0x80000048  }
0xb5: {  	_ =	swait.ge [sflag:s29], $0x1  }
0xb6: {  	[sflag:s29] =	ssyncadd.s32 $0xFFFFFFFF  }
0xb7: {  	_ =	strace $0x90000048  }
0xb8: {  	_ =	sfence  }
0xb9: {  	s30 =	sld [smem:$0x0];
	_ =	sdelay $0x2  }
0xba: {  	s31 =	sshll.u32 s1, $0xD;
	s1 =	sshrl.u32 s1, $0x2  }
0xbb: {  	s3 =	sand.u32 $0x4000, s31;
	s1 =	sadd.s32 s1, s30  }
0xbc: {  	s0 =	sor.u32 s3, s0;
	s1 =	sshll.u32 s1, $0x11  }
0xbd: {  	s0 =	sor.u32 s1, s0  }
0xbe: {  	s0 =	sadd.s32 $0x8F2B, s0  }
0xbf: {  	[sflag:s0] =	ssyncadd.remote.s32 $0x1  }
0xc0: {  	_ =	sfence.sel $0xFFFF  }
0xc1: {  	[dreg:$0x0] =	wrdreg $0xFFFFFFFF;
	(pc) =	sbr.abs _section_cstart, $3  }
0xc2: {  	[dreg:$0x1] =	wrdreg $0xFFFFFFFF  }
0xc3: {  	_ =	task.clear_ibuf [dreg:s8], $0x2FFFF;
	_ =	strace $0x9FFFFFFF  }
0xc4: {  	(tm) =	ssettm $0x7FFFFFFF  }
0xc5: {  	_ =	shalt  }
tec
execute0_lowered:
.L_overlay_start_1:
0x0: {  	(tag) =	ssettag $0x1  }
0x1: {  	s1 =	rddreg [dreg:$0x0]  }
0x2: {  	s4 =	rddreg [dreg:$0x1]  }
0x3: {  	s5 =	rddreg [dreg:$0x2];
	s3 =	simm.s32 $0x0  }
0x4: {  	s24 =	simm.s32 $0x880;
	[smem:$0x7FF] =	sst s3  }
0x5: {  	s25 =	simm.s32 $0x1080;
	_ =	strace $0x80000047;
	[dreg:$0x6] =	wrdreg s24  }
0x6: {  	s0 =	stileid.u32;
	s26 =	simm.s32 $0x1880;
	[dreg:$0x7] =	wrdreg s25  }
0x7: {  	s6 =	sshll.u32 s0, $0x5;
	s0 =	simm.s32 $0x2080;
	[dreg:$0x8] =	wrdreg s26  }
0x8: {  	s8 =	simm.s32 $0x4080;
	[dreg:$0x9] =	wrdreg s0  }
0x9: {  	s9 =	simm.s32 $0x4880;
	[dreg:$0xd] =	wrdreg s8  }
0xa: {  	s10 =	simm.s32 $0x5080;
	[dreg:$0xe] =	wrdreg s9  }
0xb: {  	s11 =	simm.s32 $0x5880;
	[dreg:$0xf] =	wrdreg s10  }
0xc: {  	s12 =	simm.s32 $0x6080;
	[dreg:$0x10] =	wrdreg s11  }
0xd: {  	s13 =	simm.s32 $0x6880;
	[dreg:$0x11] =	wrdreg s12  }
0xe: {  	s14 =	simm.s32 $0x7080;
	[dreg:$0x12] =	wrdreg s13  }
0xf: {  	s2 =	srdreg.scid;
	s15 =	simm.s32 $0x7880;
	[dreg:$0x13] =	wrdreg s14  }
0x10: {  	s16 =	simm.s32 $0x8080;
	s17 =	simm.s32 $0x8880;
	[dreg:$0x14] =	wrdreg s15  }
0x11: {  	s18 =	simm.s32 $0x9080;
	s20 =	simm.s32 $0x9880;
	[dreg:$0x15] =	wrdreg s16  }
0x12: {  	s21 =	simm.s32 $0xA080;
	s22 =	simm.s32 $0xA880;
	[dreg:$0x16] =	wrdreg s17  }
0x13: {  	s28 =	simm.s32 $0x16080;
	s29 =	simm.s32 $0x16880;
	[dreg:$0x17] =	wrdreg s18  }
0x14: {  	s30 =	simm.s32 $0x17080;
	s2 =	sand.u32 $0x1, s2;
	[dreg:$0x18] =	wrdreg s20  }
0x15: {  	s31 =	simm.s32 $0x17880;
	s7 =	sshll.u32 s2, $0x4;
	[dreg:$0x19] =	wrdreg s21  }
0x16: {  	s2 =	ssub.s32 $0x2, s2;
	[dreg:$0x1a] =	wrdreg s22;
	s24 =	simm.s32 $0xB880  }
0x17: {  	s25 =	simm.s32 $0xC080;
	s8 =	simm.s32 $0x80;
	s26 =	simm.s32 $0xC880  }
0x18: {  	s10 =	simm.s32 $0xD880;
	s11 =	simm.s32 $0xE080;
	s12 =	simm.s32 $0xE880  }
0x19: {  	s13 =	simm.s32 $0xF080;
	s14 =	simm.s32 $0xF880;
	s15 =	simm.s32 $0x10080  }
0x1a: {  	s16 =	simm.s32 $0x10880;
	s17 =	simm.s32 $0x11080;
	s18 =	simm.s32 $0x11880  }
0x1b: {  	s20 =	simm.s32 $0x12880;
	s21 =	simm.s32 $0x13080;
	[dreg:$0x1c] =	wrdreg s24  }
0x1c: {  	s22 =	simm.s32 $0x13880;
	s6 =	sor.u32 s7, s6;
	[dreg:$0x1d] =	wrdreg s25  }
0x1d: {  	s7 =	simm.s32 $0x3880;
	s19 =	sshrl.u32 s2, $0x1;
	[dreg:$0x1e] =	wrdreg s26  }
0x1e: {  	s24 =	simm.s32 $0x14880;
	s4 =	sadd.s32 s6, s4;
	s6 =	smul.u32 $0x300, s6  }
0x1f: {  	s25 =	simm.s32 $0x15080;
	[dreg:$0xc] =	wrdreg s7;
	s4 =	sadd.s32 $0x1200, s4  }
0x20: {  	s26 =	simm.s32 $0x15880;
	[dreg:$0x4] =	wrdreg s4;
	s23 =	sadd.s32 s5, s6  }
0x21: {  	s2 =	ssub.s32 s2, s19;
	s5 =	simm.s32 $0x2880;
	[dreg:$0x5] =	wrdreg s23  }
0x22: {  	s7 =	simm.s32 $0x2;
	s6 =	simm.s32 $0x3080;
	[dreg:$0xa] =	wrdreg s5  }
0x23: {  	v2 =	vlaneseq.u32;
	s19 =	simm.s32 $0x12080;
	s4 =	sadd.s32 $0x100, s1;
	[dreg:$0xb] =	wrdreg s6  }
0x24: {  	vm0 =	vmmov $0xffff;
	v1 =	vshrl.u32 v2, $0x3;
	s5 =	sadd.s32 $0x200, s1;
	s23 =	simm.s32 $0xB080;
	s6 =	smax.u32 s2, $0x1  }
0x25: {  	v0 =	vand.u32 $0x7, v2;
	v2 =	vor.u32 $0x8, v2;
	v1 =	vmul.u32 $0x8, v1;
	s2 =	simm.s32 $0x1;
	[dreg:$0x1b] =	wrdreg s23;
	s23 =	simm.s32 $0x14080  }
.LBB2_1:
0x26: {  	s0 =	rddreg [dreg:$0x4]  }
0x27: {  	[tilespmem:s3], [sflag:$0x2] =	stream.linear.gather [hbm4b:s0+s3], $0x80, $0x38;
	[tilespmem:$0x18080] =	vst v63  }
0x28: {  	_ =	swait.ge [sflag:s7], $0x80  }
0x29: {  	[sflag:s7] =	ssyncset.done $0x0  }
0x2a: {  	[sflag:s7] =	ssyncadd.s32 $0xFFFFFF80  }
0x2b: {  	v3 =	vld [tilespmem:$0x0];
	_ =	sdelay $0x4  }
0x2c: {  	v4 =	vshrl.u32 v3, $0x3  }
0x2d: {  	v4 =	vmul.u32 $0x30, v4  }
0x2e: {  	v3 =	vand.u32 $0x7, v3  }
0x2f: {  	v3 =	vor.u32 v3, v4  }
0x30: {  	v4 =	vperm.xlane v3, v0;
	_ =	sdelay $0x1  }
0x31: {  	v4 =	vadd.s32 v1, v4;
	_ =	sdelay $0x3  }
0x32: {  	v3 =	vperm.xlane v3, v2  }
0x33: {  	[tilespmem:s8], [sflag:$0x1] =	stream.indirect_vreg.gather [hbm4b:s1+s3], $0x80, v4, vm0, $0xb8;
	[tilespmem:$0x18080] =	vst v63  }
0x34: {  	s0 =	rddreg [dreg:$0x6];
	v3 =	vadd.s32 v1, v3  }
0x35: {  	[tilespmem:s0], [sflag:$0x1] =	stream.indirect_vreg.gather [hbm4b:s4+s3], $0x80, v4, vm0, $0xb8;
	[tilespmem:$0x18080] =	vst v63  }
0x36: {  	s9 =	rddreg [dreg:$0x7]  }
0x37: {  	[tilespmem:s9], [sflag:$0x1] =	stream.indirect_vreg.gather [hbm4b:s5+s3], $0x80, v4, vm0, $0xb8;
	[tilespmem:$0x18080] =	vst v63  }
0x38: {  	s0 =	rddreg [dreg:$0x8]  }
0x39: {  	[tilespmem:s0], [sflag:$0x1] =	stream.indirect_vreg.gather [hbm4b:s1+s3], $0x80, v3, vm0, $0xb8;
	[tilespmem:$0x18080] =	vst v63  }
0x3a: {  	s9 =	rddreg [dreg:$0x9]  }
0x3b: {  	[tilespmem:s9], [sflag:$0x1] =	stream.indirect_vreg.gather [hbm4b:s4+s3], $0x80, v3, vm0, $0xb8;
	[tilespmem:$0x18080] =	vst v63  }
0x3c: {  	s0 =	rddreg [dreg:$0xa]  }
0x3d: {  	[tilespmem:s0], [sflag:$0x1] =	stream.indirect_vreg.gather [hbm4b:s5+s3], $0x80, v3, vm0, $0xb8;
	[tilespmem:$0x18080] =	vst v63  }
0x3e: {  	v3 =	vld [tilespmem:$0x10];
	_ =	sdelay $0x4  }
0x3f: {  	v57 =	vshrl.u32 v3, $0x3  }
0x40: {  	v4 =	vmul.u32 $0x30, v57  }
0x41: {  	v3 =	vand.u32 $0x7, v3  }
0x42: {  	v3 =	vor.u32 v3, v4  }
0x43: {  	v4 =	vperm.xlane v3, v0;
	_ =	sdelay $0x1  }
0x44: {  	v4 =	vadd.s32 v1, v4;
	_ =	sdelay $0x3  }
0x45: {  	s0 =	rddreg [dreg:$0xb];
	v3 =	vperm.xlane v3, v2  }
0x46: {  	[tilespmem:s0], [sflag:$0x1] =	stream.indirect_vreg.gather [hbm4b:s1+s3], $0x80, v4, vm0, $0xb8;
	[tilespmem:$0x18080] =	vst v63  }
0x47: {  	s9 =	rddreg [dreg:$0xc];
	v3 =	vadd.s32 v1, v3  }
0x48: {  	[tilespmem:s9], [sflag:$0x1] =	stream.indirect_vreg.gather [hbm4b:s4+s3], $0x80, v4, vm0, $0xb8;
	[tilespmem:$0x18080] =	vst v63  }
0x49: {  	s0 =	rddreg [dreg:$0xd]  }
0x4a: {  	[tilespmem:s0], [sflag:$0x1] =	stream.indirect_vreg.gather [hbm4b:s5+s3], $0x80, v4, vm0, $0xb8;
	[tilespmem:$0x18080] =	vst v63  }
0x4b: {  	s9 =	rddreg [dreg:$0xe]  }
0x4c: {  	[tilespmem:s9], [sflag:$0x1] =	stream.indirect_vreg.gather [hbm4b:s1+s3], $0x80, v3, vm0, $0xb8;
	[tilespmem:$0x18080] =	vst v63  }
0x4d: {  	s0 =	rddreg [dreg:$0xf]  }
0x4e: {  	[tilespmem:s0], [sflag:$0x1] =	stream.indirect_vreg.gather [hbm4b:s4+s3], $0x80, v3, vm0, $0xb8;
	[tilespmem:$0x18080] =	vst v63  }
0x4f: {  	s9 =	rddreg [dreg:$0x10]  }
0x50: {  	[tilespmem:s9], [sflag:$0x1] =	stream.indirect_vreg.gather [hbm4b:s5+s3], $0x80, v3, vm0, $0xb8;
	[tilespmem:$0x18080] =	vst v63  }
0x51: {  	v3 =	vld [tilespmem:$0x20];
	_ =	sdelay $0x4  }
0x52: {  	v58 =	vshrl.u32 v3, $0x3  }
0x53: {  	v4 =	vmul.u32 $0x30, v58  }
0x54: {  	v3 =	vand.u32 $0x7, v3  }
0x55: {  	v3 =	vor.u32 v3, v4  }
0x56: {  	v4 =	vperm.xlane v3, v0;
	_ =	sdelay $0x1  }
0x57: {  	v4 =	vadd.s32 v1, v4;
	_ =	sdelay $0x3  }
0x58: {  	s0 =	rddreg [dreg:$0x11];
	v3 =	vperm.xlane v3, v2  }
0x59: {  	[tilespmem:s0], [sflag:$0x1] =	stream.indirect_vreg.gather [hbm4b:s1+s3], $0x80, v4, vm0, $0xb8;
	[tilespmem:$0x18080] =	vst v63  }
0x5a: {  	s9 =	rddreg [dreg:$0x12];
	v3 =	vadd.s32 v1, v3  }
0x5b: {  	[tilespmem:s9], [sflag:$0x1] =	stream.indirect_vreg.gather [hbm4b:s4+s3], $0x80, v4, vm0, $0xb8;
	[tilespmem:$0x18080] =	vst v63  }
0x5c: {  	s0 =	rddreg [dreg:$0x13]  }
0x5d: {  	[tilespmem:s0], [sflag:$0x1] =	stream.indirect_vreg.gather [hbm4b:s5+s3], $0x80, v4, vm0, $0xb8;
	[tilespmem:$0x18080] =	vst v63  }
0x5e: {  	s9 =	rddreg [dreg:$0x14]  }
0x5f: {  	[tilespmem:s9], [sflag:$0x1] =	stream.indirect_vreg.gather [hbm4b:s1+s3], $0x80, v3, vm0, $0xb8;
	[tilespmem:$0x18080] =	vst v63  }
0x60: {  	s0 =	rddreg [dreg:$0x15]  }
0x61: {  	[tilespmem:s0], [sflag:$0x1] =	stream.indirect_vreg.gather [hbm4b:s4+s3], $0x80, v3, vm0, $0xb8;
	[tilespmem:$0x18080] =	vst v63  }
0x62: {  	s9 =	rddreg [dreg:$0x16]  }
0x63: {  	[tilespmem:s9], [sflag:$0x1] =	stream.indirect_vreg.gather [hbm4b:s5+s3], $0x80, v3, vm0, $0xb8;
	[tilespmem:$0x18080] =	vst v63  }
0x64: {  	v3 =	vld [tilespmem:$0x30];
	_ =	sdelay $0x4  }
0x65: {  	v59 =	vshrl.u32 v3, $0x3  }
0x66: {  	v4 =	vmul.u32 $0x30, v59  }
0x67: {  	v3 =	vand.u32 $0x7, v3  }
0x68: {  	v3 =	vor.u32 v3, v4  }
0x69: {  	v4 =	vperm.xlane v3, v0;
	_ =	sdelay $0x1  }
0x6a: {  	v4 =	vadd.s32 v1, v4;
	_ =	sdelay $0x3  }
0x6b: {  	s0 =	rddreg [dreg:$0x17];
	v3 =	vperm.xlane v3, v2  }
0x6c: {  	[tilespmem:s0], [sflag:$0x1] =	stream.indirect_vreg.gather [hbm4b:s1+s3], $0x80, v4, vm0, $0xb8;
	[tilespmem:$0x18080] =	vst v63  }
0x6d: {  	s9 =	rddreg [dreg:$0x18];
	v3 =	vadd.s32 v1, v3  }
0x6e: {  	[tilespmem:s9], [sflag:$0x1] =	stream.indirect_vreg.gather [hbm4b:s4+s3], $0x80, v4, vm0, $0xb8;
	[tilespmem:$0x18080] =	vst v63  }
0x6f: {  	s0 =	rddreg [dreg:$0x19]  }
0x70: {  	[tilespmem:s0], [sflag:$0x1] =	stream.indirect_vreg.gather [hbm4b:s5+s3], $0x80, v4, vm0, $0xb8;
	[tilespmem:$0x18080] =	vst v63  }
0x71: {  	s9 =	rddreg [dreg:$0x1a]  }
0x72: {  	[tilespmem:s9], [sflag:$0x1] =	stream.indirect_vreg.gather [hbm4b:s1+s3], $0x80, v3, vm0, $0xb8;
	[tilespmem:$0x18080] =	vst v63  }
0x73: {  	s0 =	rddreg [dreg:$0x1b]  }
0x74: {  	[tilespmem:s0], [sflag:$0x1] =	stream.indirect_vreg.gather [hbm4b:s4+s3], $0x80, v3, vm0, $0xb8;
	[tilespmem:$0x18080] =	vst v63  }
0x75: {  	s9 =	rddreg [dreg:$0x1c]  }
0x76: {  	[tilespmem:s9], [sflag:$0x1] =	stream.indirect_vreg.gather [hbm4b:s5+s3], $0x80, v3, vm0, $0xb8;
	[tilespmem:$0x18080] =	vst v63  }
0x77: {  	v3 =	vld [tilespmem:$0x40];
	_ =	sdelay $0x4  }
0x78: {  	v60 =	vshrl.u32 v3, $0x3  }
0x79: {  	v4 =	vmul.u32 $0x30, v60  }
0x7a: {  	v3 =	vand.u32 $0x7, v3  }
0x7b: {  	v3 =	vor.u32 v3, v4  }
0x7c: {  	v4 =	vperm.xlane v3, v0;
	_ =	sdelay $0x1  }
0x7d: {  	v4 =	vadd.s32 v1, v4;
	_ =	sdelay $0x3  }
0x7e: {  	s0 =	rddreg [dreg:$0x1d];
	v3 =	vperm.xlane v3, v2  }
0x7f: {  	[tilespmem:s0], [sflag:$0x1] =	stream.indirect_vreg.gather [hbm4b:s1+s3], $0x80, v4, vm0, $0xb8;
	[tilespmem:$0x18080] =	vst v63  }
0x80: {  	s9 =	rddreg [dreg:$0x1e];
	v3 =	vadd.s32 v1, v3  }
0x81: {  	[tilespmem:s9], [sflag:$0x1] =	stream.indirect_vreg.gather [hbm4b:s4+s3], $0x80, v4, vm0, $0xb8;
	[tilespmem:$0x18080] =	vst v63  }
0x82: {  	s9 =	simm.s32 $0xD080  }
0x83: {  	[tilespmem:s9], [sflag:$0x1] =	stream.indirect_vreg.gather [hbm4b:s5+s3], $0x80, v4, vm0, $0xb8;
	[tilespmem:$0x18080] =	vst v63  }
0x84: {  	_ = 	snop  }
0x85: {  	[tilespmem:s10], [sflag:$0x1] =	stream.indirect_vreg.gather [hbm4b:s1+s3], $0x80, v3, vm0, $0xb8;
	[tilespmem:$0x18080] =	vst v63  }
0x86: {  	_ = 	snop  }
0x87: {  	[tilespmem:s11], [sflag:$0x1] =	stream.indirect_vreg.gather [hbm4b:s4+s3], $0x80, v3, vm0, $0xb8;
	[tilespmem:$0x18080] =	vst v63  }
0x88: {  	_ = 	snop  }
0x89: {  	[tilespmem:s12], [sflag:$0x1] =	stream.indirect_vreg.gather [hbm4b:s5+s3], $0x80, v3, vm0, $0xb8;
	[tilespmem:$0x18080] =	vst v63  }
0x8a: {  	v3 =	vld [tilespmem:$0x50];
	_ =	sdelay $0x4  }
0x8b: {  	v61 =	vshrl.u32 v3, $0x3  }
0x8c: {  	v4 =	vmul.u32 $0x30, v61  }
0x8d: {  	v3 =	vand.u32 $0x7, v3  }
0x8e: {  	v3 =	vor.u32 v3, v4  }
0x8f: {  	v4 =	vperm.xlane v3, v0;
	_ =	sdelay $0x1  }
0x90: {  	v4 =	vadd.s32 v1, v4;
	_ =	sdelay $0x3  }
0x91: {  	v3 =	vperm.xlane v3, v2  }
0x92: {  	[tilespmem:s13], [sflag:$0x1] =	stream.indirect_vreg.gather [hbm4b:s1+s3], $0x80, v4, vm0, $0xb8;
	[tilespmem:$0x18080] =	vst v63  }
0x93: {  	v3 =	vadd.s32 v1, v3  }
0x94: {  	[tilespmem:s14], [sflag:$0x1] =	stream.indirect_vreg.gather [hbm4b:s4+s3], $0x80, v4, vm0, $0xb8;
	[tilespmem:$0x18080] =	vst v63  }
0x95: {  	_ = 	snop  }
0x96: {  	[tilespmem:s15], [sflag:$0x1] =	stream.indirect_vreg.gather [hbm4b:s5+s3], $0x80, v4, vm0, $0xb8;
	[tilespmem:$0x18080] =	vst v63  }
0x97: {  	_ = 	snop  }
0x98: {  	[tilespmem:s16], [sflag:$0x1] =	stream.indirect_vreg.gather [hbm4b:s1+s3], $0x80, v3, vm0, $0xb8;
	[tilespmem:$0x18080] =	vst v63  }
0x99: {  	_ = 	snop  }
0x9a: {  	[tilespmem:s17], [sflag:$0x1] =	stream.indirect_vreg.gather [hbm4b:s4+s3], $0x80, v3, vm0, $0xb8;
	[tilespmem:$0x18080] =	vst v63  }
0x9b: {  	_ = 	snop  }
0x9c: {  	[tilespmem:s18], [sflag:$0x1] =	stream.indirect_vreg.gather [hbm4b:s5+s3], $0x80, v3, vm0, $0xb8;
	[tilespmem:$0x18080] =	vst v63  }
0x9d: {  	v3 =	vld [tilespmem:$0x60];
	_ =	sdelay $0x4  }
0x9e: {  	v62 =	vshrl.u32 v3, $0x3  }
0x9f: {  	v4 =	vmul.u32 $0x30, v62  }
0xa0: {  	v3 =	vand.u32 $0x7, v3  }
0xa1: {  	v3 =	vor.u32 v3, v4  }
0xa2: {  	v4 =	vperm.xlane v3, v0;
	_ =	sdelay $0x1  }
0xa3: {  	v4 =	vadd.s32 v1, v4;
	_ =	sdelay $0x3  }
0xa4: {  	v3 =	vperm.xlane v3, v2  }
0xa5: {  	[tilespmem:s19], [sflag:$0x1] =	stream.indirect_vreg.gather [hbm4b:s1+s3], $0x80, v4, vm0, $0xb8;
	[tilespmem:$0x18080] =	vst v63  }
0xa6: {  	v3 =	vadd.s32 v1, v3  }
0xa7: {  	[tilespmem:s20], [sflag:$0x1] =	stream.indirect_vreg.gather [hbm4b:s4+s3], $0x80, v4, vm0, $0xb8;
	[tilespmem:$0x18080] =	vst v63  }
0xa8: {  	_ = 	snop  }
0xa9: {  	[tilespmem:s21], [sflag:$0x1] =	stream.indirect_vreg.gather [hbm4b:s5+s3], $0x80, v4, vm0, $0xb8;
	[tilespmem:$0x18080] =	vst v63  }
0xaa: {  	_ = 	snop  }
0xab: {  	[tilespmem:s22], [sflag:$0x1] =	stream.indirect_vreg.gather [hbm4b:s1+s3], $0x80, v3, vm0, $0xb8;
	[tilespmem:$0x18080] =	vst v63  }
0xac: {  	_ = 	snop  }
0xad: {  	[tilespmem:s23], [sflag:$0x1] =	stream.indirect_vreg.gather [hbm4b:s4+s3], $0x80, v3, vm0, $0xb8;
	[tilespmem:$0x18080] =	vst v63  }
0xae: {  	_ = 	snop  }
0xaf: {  	[tilespmem:s24], [sflag:$0x1] =	stream.indirect_vreg.gather [hbm4b:s5+s3], $0x80, v3, vm0, $0xb8;
	[tilespmem:$0x18080] =	vst v63  }
0xb0: {  	v3 =	vld [tilespmem:$0x70];
	_ =	sdelay $0x4  }
0xb1: {  	v63 =	vshrl.u32 v3, $0x3  }
0xb2: {  	v4 =	vmul.u32 $0x30, v63  }
0xb3: {  	v3 =	vand.u32 $0x7, v3  }
0xb4: {  	v3 =	vor.u32 v3, v4  }
0xb5: {  	v4 =	vperm.xlane v3, v0;
	_ =	sdelay $0x1  }
0xb6: {  	v4 =	vadd.s32 v1, v4;
	_ =	sdelay $0x3  }
0xb7: {  	v3 =	vperm.xlane v3, v2  }
0xb8: {  	[tilespmem:s25], [sflag:$0x1] =	stream.indirect_vreg.gather [hbm4b:s1+s3], $0x80, v4, vm0, $0xb8;
	[tilespmem:$0x18080] =	vst v63  }
0xb9: {  	v3 =	vadd.s32 v1, v3  }
0xba: {  	[tilespmem:s26], [sflag:$0x1] =	stream.indirect_vreg.gather [hbm4b:s4+s3], $0x80, v4, vm0, $0xb8;
	[tilespmem:$0x18080] =	vst v63  }
0xbb: {  	_ = 	snop  }
0xbc: {  	[tilespmem:s28], [sflag:$0x1] =	stream.indirect_vreg.gather [hbm4b:s5+s3], $0x80, v4, vm0, $0xb8;
	[tilespmem:$0x18080] =	vst v63  }
0xbd: {  	_ = 	snop  }
0xbe: {  	[tilespmem:s29], [sflag:$0x1] =	stream.indirect_vreg.gather [hbm4b:s1+s3], $0x80, v3, vm0, $0xb8;
	[tilespmem:$0x18080] =	vst v63  }
0xbf: {  	_ = 	snop  }
0xc0: {  	[tilespmem:s30], [sflag:$0x1] =	stream.indirect_vreg.gather [hbm4b:s4+s3], $0x80, v3, vm0, $0xb8;
	[tilespmem:$0x18080] =	vst v63  }
0xc1: {  	_ = 	snop  }
0xc2: {  	[tilespmem:s31], [sflag:$0x1] =	stream.indirect_vreg.gather [hbm4b:s5+s3], $0x80, v3, vm0, $0xb8;
	[tilespmem:$0x18080] =	vst v63  }
0xc3: {  	_ =	swait.ge [sflag:s2], $0x18000  }
0xc4: {  	p0 =	sne.s32 s6, $0x1;
	[sflag:s2] =	ssyncset.done $0x0  }
.Ltmp0:
0xc5: {  	s9 =	rddreg [dreg:$0x5];
	[sflag:s2] =	ssyncadd.s32 $0xFFFE8000;
	(pc) =	sbr.rel @p0 .LBB2_1-.Ltmp0, $4  }
0xc6: {  	[hbm4b:s9+s3] =	stream.linear.scatter [tilespmem:s8], [sflag:$0x2], $0x18000, $0x38;
	[tilespmem:$0x18080] =	vst v63  }
0xc7: {  	_ =	swait.ge [sflag:s7], $0x18000  }
0xc8: {  	[sflag:s7] =	ssyncset.done $0x0  }
0xc9: {  	s6 =	sadd.s32 $0xFFFFFFFF, s6;
	[sflag:s7] =	ssyncadd.s32 $0xFFFE8000  }
0xca: {  	_ =	sfence.sel $0x180000  }
0xcb: {  	[bflag:$0x0] =	sbarrier.arrive $0xFFFF  }
0xcc: {  	_ =	strace $0x90000047  }
0xcd: {  	s0 =	stileid.u32;
	[bflag:$0x2] =	sbarrier.arrive $0xFFFF  }
0xce: {  	p0 =	sne.s32 s0, $0x0;
	s0 =	rddreg [dreg:$0x3]  }
0xcf: {  	s0 =	sadd.s32 @!p0 $0x100000, s0  }
0xd0: {  	[sflag:s0] =	ssyncadd.tile.s32 @!p0 $0x1;
	_ =	shalt  }
.Lfunc_end2:
_tile_overlayer_lowered:
.L_overlay_start_2:
0xd1: {  	(tag) =	ssettag $0x2  }
0xd2: {  	s0 =	rddreg [dreg:$0x0];
	s2 =	stileid.u32  }
0xd3: {  	s1 =	rddreg [dreg:$0x1];
	p0 =	sne.s32 s2, $0x0  }
0xd4: {  	s3 =	rddreg [dreg:$0x2];
	[bflag:$0x3] =	sbarrier.arrive $0xFFFF;
	s2 =	simm.s32 @!p0 $0x1C02  }
0xd5: {  	[timem:s3], [sflag:s2] =	dma.local @!p0 [hbm:s0], s1  }
0xd6: {  	s0 =	simm.s32 @!p0 $0x2  }
0xd7: {  	_ =	swait.ge @!p0 [sflag:s0], s1  }
0xd8: {  	s1 =	ssub.s32 @!p0 $0x0, s1;
	[sflag:s0] =	ssyncset.done @!p0 $0x0  }
0xd9: {  	[sflag:s0] =	ssyncadd.s32 @!p0 s1  }
0xda: {  	[bflag:$0x3] =	sbarrier.arrive $0xFFFF  }
0xdb: {  	_ =	shalt  }

</sc_bundles>
